<compile_context>
chip_gen: v7x
topology: tpu7x:2x2x1
jax: 0.10.2.dev20260603
libtpu: 0.0.44.dev20260713+nightly
codegen_flags: <defaults>
</compile_context>

<pallas_src>
import jax
import jax.numpy as jnp
from jax import lax
from jax.experimental import pallas as pl
from jax.experimental.pallas import tpu as pltpu
from jax.experimental.pallas import tpu_sc as plsc

D = 128
DH = D // 2
NSEG = 10000
NSEG_PAD = 10240
NC = 2
NS = 16
SB_ROWS = 512
NSB = 625
SLICE = NSEG_PAD // NS
CHUNK = 128
NCH = SB_ROWS // CHUNK
NBUF = 2


def _zero_fill(ref, nrows, ncols):
  z = jnp.zeros((16,), jnp.float32)
  def body(i, c):
    for j in range(ncols // 16):
      ref[i, pl.ds(j * 16, 16)] = z
    return c
  lax.fori_loop(0, nrows, body, 0)


def _sc_body(data_hbm, ids_hbm, out_hbm,
             buf0, buf1, buf2, idb0, idb1, idb2, ones_v, zcnt, accum, caccum,
             fsem0, fsem1, fsem2, ssem):
  cid = lax.axis_index("c")
  sid = lax.axis_index("s")
  bufs = (buf0, buf1, buf2)
  idbs = (idb0, idb1, idb2)
  fsems = (fsem0, fsem1, fsem2)

  s0 = (NSB * sid) // NS
  s_end = (NSB * (sid + 1)) // NS

  _zero_fill(buf0, SB_ROWS, DH)
  _zero_fill(zcnt, zcnt.shape[0], 16)
  one = jnp.ones((16,), jnp.float32)
  def ones_body(i, c):
    ones_v[i, :] = one
    return c
  lax.fori_loop(0, ones_v.shape[0], ones_body, 0)

  zbase = sid * SLICE
  pltpu.sync_copy(buf0, accum.at[pl.ds(zbase, SB_ROWS)])
  pltpu.sync_copy(buf0.at[pl.ds(0, SLICE - SB_ROWS)],
                  accum.at[pl.ds(zbase + SB_ROWS, SLICE - SB_ROWS)])
  pltpu.sync_copy(zcnt, caccum.at[pl.ds(zbase, SLICE)])
  plsc.subcore_barrier()

  col = cid * DH

  def fill(s, b):
    pltpu.async_copy(
        data_hbm.at[pl.ds(s * SB_ROWS, SB_ROWS), pl.ds(col, DH)],
        bufs[b], fsems[b])
    pltpu.async_copy(ids_hbm.at[pl.ds(s * NCH, NCH)], idbs[b], fsems[b])

  def fill_wait(s, b):
    pltpu.make_async_copy(
        data_hbm.at[pl.ds(s * SB_ROWS, SB_ROWS), pl.ds(col, DH)],
        bufs[b], fsems[b]).wait()
    pltpu.make_async_copy(ids_hbm.at[pl.ds(s * NCH, NCH)],
                          idbs[b], fsems[b]).wait()

  def scatter_start(b):
    descs = []
    for j in range(NCH):
      descs.append(pltpu.async_copy(
          bufs[b].at[pl.ds(j * CHUNK, CHUNK)], accum.at[idbs[b].at[j, 0]],
          ssem, add=True))
      descs.append(pltpu.async_copy(
          ones_v, caccum.at[idbs[b].at[j, 0]], ssem, add=True))
    return descs

  for b in range(NBUF - 1):
    @pl.when(s0 + b < s_end)
    def _(b=b):
      fill(s0 + b, b)

  def step(k, b):
    s = s0 + k
    @pl.when(s < s_end)
    def _():
      fill_wait(s, b)
      descs = scatter_start(b)
      @pl.when(s + NBUF - 1 < s_end)
      def _():
        fill(s + NBUF - 1, (b + NBUF - 1) % NBUF)
      for d in descs:
        d.wait()

  def pipe_body(i, c):
    for b in range(NBUF):
      step(i * NBUF + b, b)
    return c
  max_sb = (NSB + NS - 1) // NS
  lax.fori_loop(0, (max_sb + NBUF - 1) // NBUF, pipe_body, 0)
  plsc.subcore_barrier()

  pltpu.sync_copy(caccum.at[pl.ds(sid * SLICE, SLICE)], zcnt)
  for (off, sz) in ((0, SB_ROWS), (SB_ROWS, SLICE - SB_ROWS)):
    pltpu.sync_copy(accum.at[pl.ds(sid * SLICE + off, sz)],
                    buf0.at[pl.ds(0, sz)])
    def fin_body(r, c, off=off):
      inv = one / jnp.maximum(zcnt[off + r, :], one)
      for j in range(DH // 16):
        sl = pl.ds(j * 16, 16)
        buf0[r, sl] = buf0[r, sl] * inv
      return c
    lax.fori_loop(0, sz, fin_body, 0)
    pltpu.sync_copy(buf0.at[pl.ds(0, sz)],
                    out_hbm.at[cid, pl.ds(sid * SLICE + off, sz)])


def kernel(data, segment_ids):
  n = data.shape[0]
  ids3d = segment_ids.astype(jnp.int32).reshape(n // 128, 1, 128)

  mesh = plsc.VectorSubcoreMesh(core_axis_name="c", subcore_axis_name="s",
                                num_cores=NC, num_subcores=NS)
  params = pltpu.CompilerParams(use_tc_tiling_on_sc=False)

  sc = pl.kernel(
      _sc_body,
      compiler_params=params,
      out_type=jax.ShapeDtypeStruct((NC, NSEG_PAD, DH), jnp.float32),
      mesh=mesh,
      scratch_types=[
          pltpu.VMEM((SB_ROWS, DH), jnp.float32),
          pltpu.VMEM((SB_ROWS, DH), jnp.float32),
          pltpu.VMEM((SB_ROWS, DH), jnp.float32),
          pltpu.VMEM((NCH, 1, 128), jnp.int32),
          pltpu.VMEM((NCH, 1, 128), jnp.int32),
          pltpu.VMEM((NCH, 1, 128), jnp.int32),
          pltpu.VMEM((CHUNK, 16), jnp.float32),
          pltpu.VMEM((SLICE, 16), jnp.float32),
          pltpu.VMEM_SHARED((NSEG_PAD, DH), jnp.float32),
          pltpu.VMEM_SHARED((NSEG_PAD, 16), jnp.float32),
          pltpu.SemaphoreType.DMA,
          pltpu.SemaphoreType.DMA,
          pltpu.SemaphoreType.DMA,
          pltpu.SemaphoreType.DMA,
      ],
  )
  halves = sc(data, ids3d)
  return jnp.concatenate([halves[0, :NSEG], halves[1, :NSEG]], axis=1)

# --- scband reference (transcript-rebuilt; emitter-appended) ---
"""Pipeline reference for scband-structure-wise-aggregation-29188597744169 (READ-ONLY COPY).

The authoritative reference and input builder live on the scoring server;
editing this copy changes nothing except your own understanding.
"""

import jax, jax.numpy as jnp
import numpy as np

NUM_SEGMENTS = 10000

def setup_inputs(seed: int = 0) -> dict:
    key = jax.random.key(seed)
    k1, k2 = jax.random.split(key)
    data = jax.random.normal(k1, (320000, 128), dtype=jnp.float32)
    segment_ids = jnp.sort(jax.random.randint(k2, (320000,), 0, NUM_SEGMENTS))
    return {"data": data, "segment_ids": segment_ids}

def reference(data, segment_ids):
    # equistore.mean_over_samples over sample name 'center' == segment-wise mean
    sums = jax.ops.segment_sum(data, segment_ids, num_segments=NUM_SEGMENTS)
    counts = jax.ops.segment_sum(jnp.ones((data.shape[0],), dtype=data.dtype), segment_ids, num_segments=NUM_SEGMENTS)
    counts = jnp.maximum(counts, 1.0)
    return sums / counts[:, None]

if __name__ == "__main__":
    import jax
    _d = setup_inputs()
    print(jax.jit(kernel)(*tuple(_d.values())))

</pallas_src>

<mosaic_0001>
#map = affine_map<(d0, d1) -> (0, 0)>
#map1 = affine_map<(d0, d1) -> (0, 0, 0)>
module attributes {stable_mosaic.version = 14 : i64} {
  func.func @_sc_body(%arg0: i32, %arg1: i32, %arg2: memref<320000x128xf32, #tpu.memory_space<hbm>>, %arg3: memref<2500x1x128xi32, #tpu.memory_space<hbm>>, %arg4: memref<2x10240x64xf32, #tpu.memory_space<hbm>>, %arg5: memref<512x64xf32, #tpu.memory_space<vmem>>, %arg6: memref<512x64xf32, #tpu.memory_space<vmem>>, %arg7: memref<512x64xf32, #tpu.memory_space<vmem>>, %arg8: memref<4x1x128xi32, #tpu.memory_space<vmem>>, %arg9: memref<4x1x128xi32, #tpu.memory_space<vmem>>, %arg10: memref<4x1x128xi32, #tpu.memory_space<vmem>>, %arg11: memref<128x16xf32, #tpu.memory_space<vmem>>, %arg12: memref<640x16xf32, #tpu.memory_space<vmem>>, %arg13: memref<10240x64xf32, #tpu.memory_space<vmem_shared>>, %arg14: memref<10240x16xf32, #tpu.memory_space<vmem_shared>>, %arg15: memref<!tpu.dma_semaphore, #tpu.memory_space<semaphore_mem>>, %arg16: memref<!tpu.dma_semaphore, #tpu.memory_space<semaphore_mem>>, %arg17: memref<!tpu.dma_semaphore, #tpu.memory_space<semaphore_mem>>, %arg18: memref<!tpu.dma_semaphore, #tpu.memory_space<semaphore_mem>>) attributes {dimension_semantics = [#tpu.dimension_semantics<core_parallel>, #tpu.dimension_semantics<subcore_parallel>], iteration_bounds = array<i64: 2, 16>, scalar_prefetch = 0 : i64, scratch_operands = 14 : i64, tpu.core_type = #tpu.core_type<sc_vector_subcore>, window_params = [{transform_indices = #map}, {transform_indices = #map1}, {transform_indices = #map1}]} {
    %mul3A = arith.constant 625 : i32
    %mul3A_0 = arith.muli %mul3A, %arg1 : i32
    %jit3A = arith.constant 16 : i32
    %div3A = arith.divsi %mul3A_0, %jit3A : i32
    %sign3A = arith.constant 0 : i32
    %sign3A_1 = arith.cmpi sgt, %mul3A_0, %sign3A : i32
    %sign3A_2 = arith.extui %sign3A_1 : i1 to i32
    %sign3A_3 = arith.constant 0 : i32
    %sign3A_4 = arith.cmpi slt, %mul3A_0, %sign3A_3 : i32
    %sign3A_5 = arith.extui %sign3A_4 : i1 to i32
    %sign3A_6 = arith.subi %sign3A_2, %sign3A_5 : i32
    %sign3A_7 = arith.constant 0 : i32
    %sign3A_8 = arith.cmpi sgt, %jit3A, %sign3A_7 : i32
    %sign3A_9 = arith.extui %sign3A_8 : i1 to i32
    %sign3A_10 = arith.constant 0 : i32
    %sign3A_11 = arith.cmpi slt, %jit3A, %sign3A_10 : i32
    %sign3A_12 = arith.extui %sign3A_11 : i1 to i32
    %sign3A_13 = arith.subi %sign3A_9, %sign3A_12 : i32
    %ne3A = arith.cmpi ne, %sign3A_6, %sign3A_13 : i32
    %rem3A = arith.remsi %mul3A_0, %jit3A : i32
    %ne3A_14 = arith.constant 0 : i32
    %ne3A_15 = arith.cmpi ne, %rem3A, %ne3A_14 : i32
    %and3A = arith.andi %ne3A, %ne3A_15 : i1
    %sub3A = arith.constant 1 : i32
    %sub3A_16 = arith.subi %div3A, %sub3A : i32
    %select_n3A = arith.select %and3A, %sub3A_16, %div3A : i32
    %add3A = arith.constant 1 : i32
    %add3A_17 = arith.addi %arg1, %add3A : i32
    %mul3A_18 = arith.constant 625 : i32
    %mul3A_19 = arith.muli %mul3A_18, %add3A_17 : i32
    %jit3A_20 = arith.constant 16 : i32
    %div3A_21 = arith.divsi %mul3A_19, %jit3A_20 : i32
    %sign3A_22 = arith.constant 0 : i32
    %sign3A_23 = arith.cmpi sgt, %mul3A_19, %sign3A_22 : i32
    %sign3A_24 = arith.extui %sign3A_23 : i1 to i32
    %sign3A_25 = arith.constant 0 : i32
    %sign3A_26 = arith.cmpi slt, %mul3A_19, %sign3A_25 : i32
    %sign3A_27 = arith.extui %sign3A_26 : i1 to i32
    %sign3A_28 = arith.subi %sign3A_24, %sign3A_27 : i32
    %sign3A_29 = arith.constant 0 : i32
    %sign3A_30 = arith.cmpi sgt, %jit3A_20, %sign3A_29 : i32
    %sign3A_31 = arith.extui %sign3A_30 : i1 to i32
    %sign3A_32 = arith.constant 0 : i32
    %sign3A_33 = arith.cmpi slt, %jit3A_20, %sign3A_32 : i32
    %sign3A_34 = arith.extui %sign3A_33 : i1 to i32
    %sign3A_35 = arith.subi %sign3A_31, %sign3A_34 : i32
    %ne3A_36 = arith.cmpi ne, %sign3A_28, %sign3A_35 : i32
    %rem3A_37 = arith.remsi %mul3A_19, %jit3A_20 : i32
    %ne3A_38 = arith.constant 0 : i32
    %ne3A_39 = arith.cmpi ne, %rem3A_37, %ne3A_38 : i32
    %and3A_40 = arith.andi %ne3A_36, %ne3A_39 : i1
    %sub3A_41 = arith.constant 1 : i32
    %sub3A_42 = arith.subi %div3A_21, %sub3A_41 : i32
    %select_n3A_43 = arith.select %and3A_40, %sub3A_42, %div3A_21 : i32
    %broadcast_in_dim3A = arith.constant 0.000000e+00 : f32
    %broadcast_in_dim3A_44 = vector.broadcast %broadcast_in_dim3A : f32 to vector<16xf32>
    %scan3A = arith.constant 0 : i32
    %scan3A_45 = arith.constant 0 : i32
    %scan3A_46 = arith.constant 512 : i32
    %scan3A_47 = arith.addi %scan3A_45, %scan3A_46 : i32
    %scan3A_48 = arith.constant 1 : i32
    scf.for %scan3A_112 = %scan3A_45 to %scan3A_47 step %scan3A_48  : i32 {
      %swap3A = arith.index_cast %scan3A_112 : i32 to index
      %swap3A_113 = arith.constant 0 : index
      %swap3A_114 = tpu.vector_load %arg5[%swap3A, %swap3A_113] {strides = array<i32>} : memref<512x64xf32, #tpu.memory_space<vmem>>, vector<1x16xf32>,
      %swap3A_115 = vector.shape_cast %swap3A_114 : vector<1x16xf32> to vector<16xf32>
      %swap3A_116 = vector.shape_cast %broadcast_in_dim3A_44 : vector<16xf32> to vector<1x16xf32>
      tpu.vector_store %arg5[%swap3A, %swap3A_113], %swap3A_116 {strides = array<i32>} : memref<512x64xf32, #tpu.memory_space<vmem>>, vector<1x16xf32>,
      %swap3A_117 = arith.index_cast %scan3A_112 : i32 to index
      %swap3A_118 = arith.constant 16 : index
      %swap3A_119 = tpu.vector_load %arg5[%swap3A_117, %swap3A_118] {strides = array<i32>} : memref<512x64xf32, #tpu.memory_space<vmem>>, vector<1x16xf32>,
      %swap3A_120 = vector.shape_cast %swap3A_119 : vector<1x16xf32> to vector<16xf32>
      %swap3A_121 = vector.shape_cast %broadcast_in_dim3A_44 : vector<16xf32> to vector<1x16xf32>
      tpu.vector_store %arg5[%swap3A_117, %swap3A_118], %swap3A_121 {strides = array<i32>} : memref<512x64xf32, #tpu.memory_space<vmem>>, vector<1x16xf32>,
      %swap3A_122 = arith.index_cast %scan3A_112 : i32 to index
      %swap3A_123 = arith.constant 32 : index
      %swap3A_124 = tpu.vector_load %arg5[%swap3A_122, %swap3A_123] {strides = array<i32>} : memref<512x64xf32, #tpu.memory_space<vmem>>, vector<1x16xf32>,
      %swap3A_125 = vector.shape_cast %swap3A_124 : vector<1x16xf32> to vector<16xf32>
      %swap3A_126 = vector.shape_cast %broadcast_in_dim3A_44 : vector<16xf32> to vector<1x16xf32>
      tpu.vector_store %arg5[%swap3A_122, %swap3A_123], %swap3A_126 {strides = array<i32>} : memref<512x64xf32, #tpu.memory_space<vmem>>, vector<1x16xf32>,
      %swap3A_127 = arith.index_cast %scan3A_112 : i32 to index
      %swap3A_128 = arith.constant 48 : index
      %swap3A_129 = tpu.vector_load %arg5[%swap3A_127, %swap3A_128] {strides = array<i32>} : memref<512x64xf32, #tpu.memory_space<vmem>>, vector<1x16xf32>,
      %swap3A_130 = vector.shape_cast %swap3A_129 : vector<1x16xf32> to vector<16xf32>
      %swap3A_131 = vector.shape_cast %broadcast_in_dim3A_44 : vector<16xf32> to vector<1x16xf32>
      tpu.vector_store %arg5[%swap3A_127, %swap3A_128], %swap3A_131 {strides = array<i32>} : memref<512x64xf32, #tpu.memory_space<vmem>>, vector<1x16xf32>,
    }
    %scan3A_49 = arith.constant 512 : i32
    %broadcast_in_dim3A_50 = arith.constant 0.000000e+00 : f32
    %broadcast_in_dim3A_51 = vector.broadcast %broadcast_in_dim3A_50 : f32 to vector<16xf32>
    %scan3A_52 = arith.constant 0 : i32
    %scan3A_53 = arith.constant 0 : i32
    %scan3A_54 = arith.constant 640 : i32
    %scan3A_55 = arith.addi %scan3A_53, %scan3A_54 : i32
    %scan3A_56 = arith.constant 1 : i32
    scf.for %scan3A_112 = %scan3A_53 to %scan3A_55 step %scan3A_56  : i32 {
      %swap3A = arith.index_cast %scan3A_112 : i32 to index
      %swap3A_113 = arith.constant 0 : index
      %swap3A_114 = tpu.vector_load %arg12[%swap3A, %swap3A_113] {strides = array<i32>} : memref<640x16xf32, #tpu.memory_space<vmem>>, vector<1x16xf32>,
      %swap3A_115 = vector.shape_cast %swap3A_114 : vector<1x16xf32> to vector<16xf32>
      %swap3A_116 = vector.shape_cast %broadcast_in_dim3A_51 : vector<16xf32> to vector<1x16xf32>
      tpu.vector_store %arg12[%swap3A, %swap3A_113], %swap3A_116 {strides = array<i32>} : memref<640x16xf32, #tpu.memory_space<vmem>>, vector<1x16xf32>,
    }
    %scan3A_57 = arith.constant 640 : i32
    %broadcast_in_dim3A_58 = arith.constant 1.000000e+00 : f32
    %broadcast_in_dim3A_59 = vector.broadcast %broadcast_in_dim3A_58 : f32 to vector<16xf32>
    %scan3A_60 = arith.constant 0 : i32
    %scan3A_61 = arith.constant 0 : i32
    %scan3A_62 = arith.constant 128 : i32
    %scan3A_63 = arith.addi %scan3A_61, %scan3A_62 : i32
    %scan3A_64 = arith.constant 1 : i32
    scf.for %scan3A_112 = %scan3A_61 to %scan3A_63 step %scan3A_64  : i32 {
      %swap3A = arith.index_cast %scan3A_112 : i32 to index
      %swap3A_113 = arith.constant 0 : index
      %swap3A_114 = tpu.vector_load %arg11[%swap3A, %swap3A_113] {strides = array<i32>} : memref<128x16xf32, #tpu.memory_space<vmem>>, vector<1x16xf32>,
      %swap3A_115 = vector.shape_cast %swap3A_114 : vector<1x16xf32> to vector<16xf32>
      %swap3A_116 = vector.shape_cast %broadcast_in_dim3A_59 : vector<16xf32> to vector<1x16xf32>
      tpu.vector_store %arg11[%swap3A, %swap3A_113], %swap3A_116 {strides = array<i32>} : memref<128x16xf32, #tpu.memory_space<vmem>>, vector<1x16xf32>,
    }
    %scan3A_65 = arith.constant 128 : i32
    %mul3A_66 = arith.constant 640 : i32
    %mul3A_67 = arith.muli %arg1, %mul3A_66 : i32
    "tpu.region"() ({
      %run_scoped3A = tpu.sem_alloc : memref<!tpu.dma_semaphore, #tpu.memory_space<semaphore_mem>>
      %dma_start3A = arith.constant 0 : i32
      %dma_start3A_112 = tpu.memref_slice %arg13[%mul3A_67, %dma_start3A] : memref<10240x64xf32, #tpu.memory_space<vmem_shared>> -> memref<512x64xf32, #tpu.memory_space<vmem_shared>>
      %dma_start3A_113 = arith.constant 0 : i32
      %dma_start3A_114 = tpu.memref_slice %arg13[%mul3A_67, %dma_start3A_113] : memref<10240x64xf32, #tpu.memory_space<vmem_shared>> -> memref<512x64xf32, #tpu.memory_space<vmem_shared>>
      tpu.enqueue_dma source(%arg5 : memref<512x64xf32, #tpu.memory_space<vmem>>) target(%dma_start3A_114 : memref<512x64xf32, #tpu.memory_space<vmem_shared>>) target_semaphore(%run_scoped3A : memref<!tpu.dma_semaphore, #tpu.memory_space<semaphore_mem>>)
      %dma_wait3A = arith.constant 0 : i32
      %dma_wait3A_115 = tpu.memref_slice %arg13[%mul3A_67, %dma_wait3A] : memref<10240x64xf32, #tpu.memory_space<vmem_shared>> -> memref<512x64xf32, #tpu.memory_space<vmem_shared>>
      %dma_wait3A_116 = arith.constant 0 : i32
      %dma_wait3A_117 = tpu.memref_slice %arg13[%mul3A_67, %dma_wait3A_116] : memref<10240x64xf32, #tpu.memory_space<vmem_shared>> -> memref<512x64xf32, #tpu.memory_space<vmem_shared>>
      tpu.wait_dma2 semaphore(%run_scoped3A : memref<!tpu.dma_semaphore, #tpu.memory_space<semaphore_mem>>) src(%arg5 : memref<512x64xf32, #tpu.memory_space<vmem>>) dst(%dma_wait3A_117 : memref<512x64xf32, #tpu.memory_space<vmem_shared>>)
      tpu.yield
    }) : () -> ()
    %add3A_68 = arith.constant 512 : i32
    %add3A_69 = arith.addi %mul3A_67, %add3A_68 : i32
    "tpu.region"() ({
      %run_scoped3A = tpu.sem_alloc : memref<!tpu.dma_semaphore, #tpu.memory_space<semaphore_mem>>
      %dma_start3A = arith.constant 0 : i32
      %dma_start3A_112 = arith.constant 0 : i32
      %dma_start3A_113 = tpu.memref_slice %arg5[%dma_start3A, %dma_start3A_112] : memref<512x64xf32, #tpu.memory_space<vmem>> -> memref<128x64xf32, #tpu.memory_space<vmem>>
      %dma_start3A_114 = arith.constant 0 : i32
      %dma_start3A_115 = tpu.memref_slice %arg13[%add3A_69, %dma_start3A_114] : memref<10240x64xf32, #tpu.memory_space<vmem_shared>> -> memref<128x64xf32, #tpu.memory_space<vmem_shared>>
      %dma_start3A_116 = arith.constant 0 : i32
      %dma_start3A_117 = tpu.memref_slice %arg13[%add3A_69, %dma_start3A_116] : memref<10240x64xf32, #tpu.memory_space<vmem_shared>> -> memref<128x64xf32, #tpu.memory_space<vmem_shared>>
      %dma_start3A_118 = arith.constant 0 : i32
      %dma_start3A_119 = arith.constant 0 : i32
      %dma_start3A_120 = tpu.memref_slice %arg5[%dma_start3A_118, %dma_start3A_119] : memref<512x64xf32, #tpu.memory_space<vmem>> -> memref<128x64xf32, #tpu.memory_space<vmem>>
      tpu.enqueue_dma source(%dma_start3A_120 : memref<128x64xf32, #tpu.memory_space<vmem>>) target(%dma_start3A_117 : memref<128x64xf32, #tpu.memory_space<vmem_shared>>) target_semaphore(%run_scoped3A : memref<!tpu.dma_semaphore, #tpu.memory_space<semaphore_mem>>)
      %dma_wait3A = arith.constant 0 : i32
      %dma_wait3A_121 = arith.constant 0 : i32
      %dma_wait3A_122 = tpu.memref_slice %arg5[%dma_wait3A, %dma_wait3A_121] : memref<512x64xf32, #tpu.memory_space<vmem>> -> memref<128x64xf32, #tpu.memory_space<vmem>>
      %dma_wait3A_123 = arith.constant 0 : i32
      %dma_wait3A_124 = tpu.memref_slice %arg13[%add3A_69, %dma_wait3A_123] : memref<10240x64xf32, #tpu.memory_space<vmem_shared>> -> memref<128x64xf32, #tpu.memory_space<vmem_shared>>
      %dma_wait3A_125 = arith.constant 0 : i32
      %dma_wait3A_126 = tpu.memref_slice %arg13[%add3A_69, %dma_wait3A_125] : memref<10240x64xf32, #tpu.memory_space<vmem_shared>> -> memref<128x64xf32, #tpu.memory_space<vmem_shared>>
      %dma_wait3A_127 = arith.constant 0 : i32
      %dma_wait3A_128 = arith.constant 0 : i32
      %dma_wait3A_129 = tpu.memref_slice %arg5[%dma_wait3A_127, %dma_wait3A_128] : memref<512x64xf32, #tpu.memory_space<vmem>> -> memref<128x64xf32, #tpu.memory_space<vmem>>
      tpu.wait_dma2 semaphore(%run_scoped3A : memref<!tpu.dma_semaphore, #tpu.memory_space<semaphore_mem>>) src(%dma_wait3A_129 : memref<128x64xf32, #tpu.memory_space<vmem>>) dst(%dma_wait3A_126 : memref<128x64xf32, #tpu.memory_space<vmem_shared>>)
      tpu.yield
    }) : () -> ()
    "tpu.region"() ({
      %run_scoped3A = tpu.sem_alloc : memref<!tpu.dma_semaphore, #tpu.memory_space<semaphore_mem>>
      %dma_start3A = arith.constant 0 : i32
      %dma_start3A_112 = tpu.memref_slice %arg14[%mul3A_67, %dma_start3A] : memref<10240x16xf32, #tpu.memory_space<vmem_shared>> -> memref<640x16xf32, #tpu.memory_space<vmem_shared>>
      %dma_start3A_113 = arith.constant 0 : i32
      %dma_start3A_114 = tpu.memref_slice %arg14[%mul3A_67, %dma_start3A_113] : memref<10240x16xf32, #tpu.memory_space<vmem_shared>> -> memref<640x16xf32, #tpu.memory_space<vmem_shared>>
      tpu.enqueue_dma source(%arg12 : memref<640x16xf32, #tpu.memory_space<vmem>>) target(%dma_start3A_114 : memref<640x16xf32, #tpu.memory_space<vmem_shared>>) target_semaphore(%run_scoped3A : memref<!tpu.dma_semaphore, #tpu.memory_space<semaphore_mem>>)
      %dma_wait3A = arith.constant 0 : i32
      %dma_wait3A_115 = tpu.memref_slice %arg14[%mul3A_67, %dma_wait3A] : memref<10240x16xf32, #tpu.memory_space<vmem_shared>> -> memref<640x16xf32, #tpu.memory_space<vmem_shared>>
      %dma_wait3A_116 = arith.constant 0 : i32
      %dma_wait3A_117 = tpu.memref_slice %arg14[%mul3A_67, %dma_wait3A_116] : memref<10240x16xf32, #tpu.memory_space<vmem_shared>> -> memref<640x16xf32, #tpu.memory_space<vmem_shared>>
      tpu.wait_dma2 semaphore(%run_scoped3A : memref<!tpu.dma_semaphore, #tpu.memory_space<semaphore_mem>>) src(%arg12 : memref<640x16xf32, #tpu.memory_space<vmem>>) dst(%dma_wait3A_117 : memref<640x16xf32, #tpu.memory_space<vmem_shared>>)
      tpu.yield
    }) : () -> ()
    %barrier3A = arith.constant 0 : index
    tpu.barrier barrier_id(%barrier3A)
    %mul3A_70 = arith.constant 64 : i32
    %mul3A_71 = arith.muli %arg0, %mul3A_70 : i32
    %add3A_72 = arith.constant 0 : i32
    %add3A_73 = arith.addi %select_n3A, %add3A_72 : i32
    %lt3A = arith.cmpi slt, %add3A_73, %select_n3A_43 : i32
    %convert_element_type3A = arith.extui %lt3A : i1 to i32
    %cond3A = arith.constant 0 : i32
    %cond3A_74 = arith.cmpi ne, %convert_element_type3A, %cond3A : i32
    scf.if %cond3A_74 {
      %add3A_112 = arith.constant 0 : i32
      %add3A_113 = arith.addi %select_n3A, %add3A_112 : i32
      %mul3A_114 = arith.constant 512 : i32
      %mul3A_115 = arith.muli %add3A_113, %mul3A_114 : i32
      %dma_start3A = tpu.memref_slice %arg2[%mul3A_115, %mul3A_71] : memref<320000x128xf32, #tpu.memory_space<hbm>> -> memref<512x64xf32, #tpu.memory_space<hbm>>
      %dma_start3A_116 = tpu.memref_slice %arg2[%mul3A_115, %mul3A_71] : memref<320000x128xf32, #tpu.memory_space<hbm>> -> memref<512x64xf32, #tpu.memory_space<hbm>>
      tpu.enqueue_dma source(%dma_start3A_116 : memref<512x64xf32, #tpu.memory_space<hbm>>) target(%arg5 : memref<512x64xf32, #tpu.memory_space<vmem>>) target_semaphore(%arg15 : memref<!tpu.dma_semaphore, #tpu.memory_space<semaphore_mem>>)
      %mul3A_117 = arith.constant 4 : i32
      %mul3A_118 = arith.muli %add3A_113, %mul3A_117 : i32
      %dma_start3A_119 = arith.constant 0 : i32
      %dma_start3A_120 = arith.constant 0 : i32
      %dma_start3A_121 = tpu.memref_slice %arg3[%mul3A_118, %dma_start3A_119, %dma_start3A_120] : memref<2500x1x128xi32, #tpu.memory_space<hbm>> -> memref<4x1x128xi32, #tpu.memory_space<hbm>>
      %dma_start3A_122 = arith.constant 0 : i32
      %dma_start3A_123 = arith.constant 0 : i32
      %dma_start3A_124 = tpu.memref_slice %arg3[%mul3A_118, %dma_start3A_122, %dma_start3A_123] : memref<2500x1x128xi32, #tpu.memory_space<hbm>> -> memref<4x1x128xi32, #tpu.memory_space<hbm>>
      tpu.enqueue_dma source(%dma_start3A_124 : memref<4x1x128xi32, #tpu.memory_space<hbm>>) target(%arg8 : memref<4x1x128xi32, #tpu.memory_space<vmem>>) target_semaphore(%arg15 : memref<!tpu.dma_semaphore, #tpu.memory_space<semaphore_mem>>)
    } else {
    }
    %scan3A_75 = arith.constant 0 : i32
    %scan3A_76 = arith.constant 0 : i32
    %scan3A_77 = arith.constant 20 : i32
    %scan3A_78 = arith.addi %scan3A_76, %scan3A_77 : i32
    %scan3A_79 = arith.constant 1 : i32
    scf.for %scan3A_112 = %scan3A_76 to %scan3A_78 step %scan3A_79  : i32 {
      %mul3A_113 = arith.constant 2 : i32
      %mul3A_114 = arith.muli %scan3A_112, %mul3A_113 : i32
      %add3A_115 = arith.constant 0 : i32
      %add3A_116 = arith.addi %mul3A_114, %add3A_115 : i32
      %add3A_117 = arith.addi %select_n3A, %add3A_116 : i32
      %lt3A_118 = arith.cmpi slt, %add3A_117, %select_n3A_43 : i32
      %convert_element_type3A_119 = arith.extui %lt3A_118 : i1 to i32
      %cond3A_120 = arith.constant 0 : i32
      %cond3A_121 = arith.cmpi ne, %convert_element_type3A_119, %cond3A_120 : i32
      scf.if %cond3A_121 {
        %mul3A_131 = arith.constant 512 : i32
        %mul3A_132 = arith.muli %add3A_117, %mul3A_131 : i32
        %dma_wait3A = tpu.memref_slice %arg2[%mul3A_132, %mul3A_71] : memref<320000x128xf32, #tpu.memory_space<hbm>> -> memref<512x64xf32, #tpu.memory_space<hbm>>
        %dma_wait3A_133 = tpu.memref_slice %arg2[%mul3A_132, %mul3A_71] : memref<320000x128xf32, #tpu.memory_space<hbm>> -> memref<512x64xf32, #tpu.memory_space<hbm>>
        tpu.wait_dma2 semaphore(%arg15 : memref<!tpu.dma_semaphore, #tpu.memory_space<semaphore_mem>>) src(%dma_wait3A_133 : memref<512x64xf32, #tpu.memory_space<hbm>>) dst(%arg5 : memref<512x64xf32, #tpu.memory_space<vmem>>)
        %mul3A_134 = arith.constant 4 : i32
        %mul3A_135 = arith.muli %add3A_117, %mul3A_134 : i32
        %dma_wait3A_136 = arith.constant 0 : i32
        %dma_wait3A_137 = arith.constant 0 : i32
        %dma_wait3A_138 = tpu.memref_slice %arg3[%mul3A_135, %dma_wait3A_136, %dma_wait3A_137] : memref<2500x1x128xi32, #tpu.memory_space<hbm>> -> memref<4x1x128xi32, #tpu.memory_space<hbm>>
        %dma_wait3A_139 = arith.constant 0 : i32
        %dma_wait3A_140 = arith.constant 0 : i32
        %dma_wait3A_141 = tpu.memref_slice %arg3[%mul3A_135, %dma_wait3A_139, %dma_wait3A_140] : memref<2500x1x128xi32, #tpu.memory_space<hbm>> -> memref<4x1x128xi32, #tpu.memory_space<hbm>>
        tpu.wait_dma2 semaphore(%arg15 : memref<!tpu.dma_semaphore, #tpu.memory_space<semaphore_mem>>) src(%dma_wait3A_141 : memref<4x1x128xi32, #tpu.memory_space<hbm>>) dst(%arg8 : memref<4x1x128xi32, #tpu.memory_space<vmem>>)
        %dma_start3A = arith.constant 0 : i32
        %dma_start3A_142 = arith.constant 0 : i32
        %dma_start3A_143 = arith.constant 0 : i32
        %dma_start3A_144 = arith.constant 0 : i32
        %dma_start3A_145 = tpu.memref_slice %arg5[%dma_start3A_143, %dma_start3A_144] : memref<512x64xf32, #tpu.memory_space<vmem>> -> memref<128x64xf32, #tpu.memory_space<vmem>>
        %dma_start3A_146 = arith.constant 0 : i32
        %dma_start3A_147 = tpu.memref_slice %arg8[%dma_start3A, %dma_start3A_142, %dma_start3A_146] : memref<4x1x128xi32, #tpu.memory_space<vmem>> -> memref<1x1x128xi32, #tpu.memory_space<vmem>>
        %dma_start3A_148 = tpu.memref_squeeze %dma_start3A_147 : memref<1x1x128xi32, #tpu.memory_space<vmem>> -> memref<128xi32, #tpu.memory_space<vmem>>
        %dma_start3A_149 = arith.constant 0 : i32
        %dma_start3A_150 = arith.constant 0 : i32
        %dma_start3A_151 = tpu.memref_slice %arg13[%dma_start3A_149, %dma_start3A_150] : memref<10240x64xf32, #tpu.memory_space<vmem_shared>> -> memref<10240x64xf32, #tpu.memory_space<vmem_shared>>
        tpu.enqueue_indirect_dma source(%dma_start3A_145 : memref<128x64xf32, #tpu.memory_space<vmem>>) target(%dma_start3A_151 : memref<10240x64xf32, #tpu.memory_space<vmem_shared>>) offsets(%dma_start3A_148 : memref<128xi32, #tpu.memory_space<vmem>>) semaphore(%arg18 : memref<!tpu.dma_semaphore, #tpu.memory_space<semaphore_mem>>) {add = true}
        %dma_start3A_152 = arith.constant 0 : i32
        %dma_start3A_153 = arith.constant 0 : i32
        %dma_start3A_154 = arith.constant 0 : i32
        %dma_start3A_155 = tpu.memref_slice %arg8[%dma_start3A_152, %dma_start3A_153, %dma_start3A_154] : memref<4x1x128xi32, #tpu.memory_space<vmem>> -> memref<1x1x128xi32, #tpu.memory_space<vmem>>
        %dma_start3A_156 = tpu.memref_squeeze %dma_start3A_155 : memref<1x1x128xi32, #tpu.memory_space<vmem>> -> memref<128xi32, #tpu.memory_space<vmem>>
        %dma_start3A_157 = arith.constant 0 : i32
        %dma_start3A_158 = arith.constant 0 : i32
        %dma_start3A_159 = tpu.memref_slice %arg14[%dma_start3A_157, %dma_start3A_158] : memref<10240x16xf32, #tpu.memory_space<vmem_shared>> -> memref<10240x16xf32, #tpu.memory_space<vmem_shared>>
        tpu.enqueue_indirect_dma source(%arg11 : memref<128x16xf32, #tpu.memory_space<vmem>>) target(%dma_start3A_159 : memref<10240x16xf32, #tpu.memory_space<vmem_shared>>) offsets(%dma_start3A_156 : memref<128xi32, #tpu.memory_space<vmem>>) semaphore(%arg18 : memref<!tpu.dma_semaphore, #tpu.memory_space<semaphore_mem>>) {add = true}
        %dma_start3A_160 = arith.constant 1 : i32
        %dma_start3A_161 = arith.constant 0 : i32
        %dma_start3A_162 = arith.constant 128 : i32
        %dma_start3A_163 = arith.constant 0 : i32
        %dma_start3A_164 = tpu.memref_slice %arg5[%dma_start3A_162, %dma_start3A_163] : memref<512x64xf32, #tpu.memory_space<vmem>> -> memref<128x64xf32, #tpu.memory_space<vmem>>
        %dma_start3A_165 = arith.constant 0 : i32
        %dma_start3A_166 = tpu.memref_slice %arg8[%dma_start3A_160, %dma_start3A_161, %dma_start3A_165] : memref<4x1x128xi32, #tpu.memory_space<vmem>> -> memref<1x1x128xi32, #tpu.memory_space<vmem>>
        %dma_start3A_167 = tpu.memref_squeeze %dma_start3A_166 : memref<1x1x128xi32, #tpu.memory_space<vmem>> -> memref<128xi32, #tpu.memory_space<vmem>>
        %dma_start3A_168 = arith.constant 0 : i32
        %dma_start3A_169 = arith.constant 0 : i32
        %dma_start3A_170 = tpu.memref_slice %arg13[%dma_start3A_168, %dma_start3A_169] : memref<10240x64xf32, #tpu.memory_space<vmem_shared>> -> memref<10240x64xf32, #tpu.memory_space<vmem_shared>>
        tpu.enqueue_indirect_dma source(%dma_start3A_164 : memref<128x64xf32, #tpu.memory_space<vmem>>) target(%dma_start3A_170 : memref<10240x64xf32, #tpu.memory_space<vmem_shared>>) offsets(%dma_start3A_167 : memref<128xi32, #tpu.memory_space<vmem>>) semaphore(%arg18 : memref<!tpu.dma_semaphore, #tpu.memory_space<semaphore_mem>>) {add = true}
        %dma_start3A_171 = arith.constant 1 : i32
        %dma_start3A_172 = arith.constant 0 : i32
        %dma_start3A_173 = arith.constant 0 : i32
        %dma_start3A_174 = tpu.memref_slice %arg8[%dma_start3A_171, %dma_start3A_172, %dma_start3A_173] : memref<4x1x128xi32, #tpu.memory_space<vmem>> -> memref<1x1x128xi32, #tpu.memory_space<vmem>>
        %dma_start3A_175 = tpu.memref_squeeze %dma_start3A_174 : memref<1x1x128xi32, #tpu.memory_space<vmem>> -> memref<128xi32, #tpu.memory_space<vmem>>
        %dma_start3A_176 = arith.constant 0 : i32
        %dma_start3A_177 = arith.constant 0 : i32
        %dma_start3A_178 = tpu.memref_slice %arg14[%dma_start3A_176, %dma_start3A_177] : memref<10240x16xf32, #tpu.memory_space<vmem_shared>> -> memref<10240x16xf32, #tpu.memory_space<vmem_shared>>
        tpu.enqueue_indirect_dma source(%arg11 : memref<128x16xf32, #tpu.memory_space<vmem>>) target(%dma_start3A_178 : memref<10240x16xf32, #tpu.memory_space<vmem_shared>>) offsets(%dma_start3A_175 : memref<128xi32, #tpu.memory_space<vmem>>) semaphore(%arg18 : memref<!tpu.dma_semaphore, #tpu.memory_space<semaphore_mem>>) {add = true}
        %dma_start3A_179 = arith.constant 2 : i32
        %dma_start3A_180 = arith.constant 0 : i32
        %dma_start3A_181 = arith.constant 256 : i32
        %dma_start3A_182 = arith.constant 0 : i32
        %dma_start3A_183 = tpu.memref_slice %arg5[%dma_start3A_181, %dma_start3A_182] : memref<512x64xf32, #tpu.memory_space<vmem>> -> memref<128x64xf32, #tpu.memory_space<vmem>>
        %dma_start3A_184 = arith.constant 0 : i32
        %dma_start3A_185 = tpu.memref_slice %arg8[%dma_start3A_179, %dma_start3A_180, %dma_start3A_184] : memref<4x1x128xi32, #tpu.memory_space<vmem>> -> memref<1x1x128xi32, #tpu.memory_space<vmem>>
        %dma_start3A_186 = tpu.memref_squeeze %dma_start3A_185 : memref<1x1x128xi32, #tpu.memory_space<vmem>> -> memref<128xi32, #tpu.memory_space<vmem>>
        %dma_start3A_187 = arith.constant 0 : i32
        %dma_start3A_188 = arith.constant 0 : i32
        %dma_start3A_189 = tpu.memref_slice %arg13[%dma_start3A_187, %dma_start3A_188] : memref<10240x64xf32, #tpu.memory_space<vmem_shared>> -> memref<10240x64xf32, #tpu.memory_space<vmem_shared>>
        tpu.enqueue_indirect_dma source(%dma_start3A_183 : memref<128x64xf32, #tpu.memory_space<vmem>>) target(%dma_start3A_189 : memref<10240x64xf32, #tpu.memory_space<vmem_shared>>) offsets(%dma_start3A_186 : memref<128xi32, #tpu.memory_space<vmem>>) semaphore(%arg18 : memref<!tpu.dma_semaphore, #tpu.memory_space<semaphore_mem>>) {add = true}
        %dma_start3A_190 = arith.constant 2 : i32
        %dma_start3A_191 = arith.constant 0 : i32
        %dma_start3A_192 = arith.constant 0 : i32
        %dma_start3A_193 = tpu.memref_slice %arg8[%dma_start3A_190, %dma_start3A_191, %dma_start3A_192] : memref<4x1x128xi32, #tpu.memory_space<vmem>> -> memref<1x1x128xi32, #tpu.memory_space<vmem>>
        %dma_start3A_194 = tpu.memref_squeeze %dma_start3A_193 : memref<1x1x128xi32, #tpu.memory_space<vmem>> -> memref<128xi32, #tpu.memory_space<vmem>>
        %dma_start3A_195 = arith.constant 0 : i32
        %dma_start3A_196 = arith.constant 0 : i32
        %dma_start3A_197 = tpu.memref_slice %arg14[%dma_start3A_195, %dma_start3A_196] : memref<10240x16xf32, #tpu.memory_space<vmem_shared>> -> memref<10240x16xf32, #tpu.memory_space<vmem_shared>>
        tpu.enqueue_indirect_dma source(%arg11 : memref<128x16xf32, #tpu.memory_space<vmem>>) target(%dma_start3A_197 : memref<10240x16xf32, #tpu.memory_space<vmem_shared>>) offsets(%dma_start3A_194 : memref<128xi32, #tpu.memory_space<vmem>>) semaphore(%arg18 : memref<!tpu.dma_semaphore, #tpu.memory_space<semaphore_mem>>) {add = true}
        %dma_start3A_198 = arith.constant 3 : i32
        %dma_start3A_199 = arith.constant 0 : i32
        %dma_start3A_200 = arith.constant 384 : i32
        %dma_start3A_201 = arith.constant 0 : i32
        %dma_start3A_202 = tpu.memref_slice %arg5[%dma_start3A_200, %dma_start3A_201] : memref<512x64xf32, #tpu.memory_space<vmem>> -> memref<128x64xf32, #tpu.memory_space<vmem>>
        %dma_start3A_203 = arith.constant 0 : i32
        %dma_start3A_204 = tpu.memref_slice %arg8[%dma_start3A_198, %dma_start3A_199, %dma_start3A_203] : memref<4x1x128xi32, #tpu.memory_space<vmem>> -> memref<1x1x128xi32, #tpu.memory_space<vmem>>
        %dma_start3A_205 = tpu.memref_squeeze %dma_start3A_204 : memref<1x1x128xi32, #tpu.memory_space<vmem>> -> memref<128xi32, #tpu.memory_space<vmem>>
        %dma_start3A_206 = arith.constant 0 : i32
        %dma_start3A_207 = arith.constant 0 : i32
        %dma_start3A_208 = tpu.memref_slice %arg13[%dma_start3A_206, %dma_start3A_207] : memref<10240x64xf32, #tpu.memory_space<vmem_shared>> -> memref<10240x64xf32, #tpu.memory_space<vmem_shared>>
        tpu.enqueue_indirect_dma source(%dma_start3A_202 : memref<128x64xf32, #tpu.memory_space<vmem>>) target(%dma_start3A_208 : memref<10240x64xf32, #tpu.memory_space<vmem_shared>>) offsets(%dma_start3A_205 : memref<128xi32, #tpu.memory_space<vmem>>) semaphore(%arg18 : memref<!tpu.dma_semaphore, #tpu.memory_space<semaphore_mem>>) {add = true}
        %dma_start3A_209 = arith.constant 3 : i32
        %dma_start3A_210 = arith.constant 0 : i32
        %dma_start3A_211 = arith.constant 0 : i32
        %dma_start3A_212 = tpu.memref_slice %arg8[%dma_start3A_209, %dma_start3A_210, %dma_start3A_211] : memref<4x1x128xi32, #tpu.memory_space<vmem>> -> memref<1x1x128xi32, #tpu.memory_space<vmem>>
        %dma_start3A_213 = tpu.memref_squeeze %dma_start3A_212 : memref<1x1x128xi32, #tpu.memory_space<vmem>> -> memref<128xi32, #tpu.memory_space<vmem>>
        %dma_start3A_214 = arith.constant 0 : i32
        %dma_start3A_215 = arith.constant 0 : i32
        %dma_start3A_216 = tpu.memref_slice %arg14[%dma_start3A_214, %dma_start3A_215] : memref<10240x16xf32, #tpu.memory_space<vmem_shared>> -> memref<10240x16xf32, #tpu.memory_space<vmem_shared>>
        tpu.enqueue_indirect_dma source(%arg11 : memref<128x16xf32, #tpu.memory_space<vmem>>) target(%dma_start3A_216 : memref<10240x16xf32, #tpu.memory_space<vmem_shared>>) offsets(%dma_start3A_213 : memref<128xi32, #tpu.memory_space<vmem>>) semaphore(%arg18 : memref<!tpu.dma_semaphore, #tpu.memory_space<semaphore_mem>>) {add = true}
        %add3A_217 = arith.constant 2 : i32
        %add3A_218 = arith.addi %add3A_117, %add3A_217 : i32
        %sub3A_219 = arith.constant 1 : i32
        %sub3A_220 = arith.subi %add3A_218, %sub3A_219 : i32
        %lt3A_221 = arith.cmpi slt, %sub3A_220, %select_n3A_43 : i32
        %convert_element_type3A_222 = arith.extui %lt3A_221 : i1 to i32
        %cond3A_223 = arith.constant 0 : i32
        %cond3A_224 = arith.cmpi ne, %convert_element_type3A_222, %cond3A_223 : i32
        scf.if %cond3A_224 {
          %add3A_301 = arith.constant 2 : i32
          %add3A_302 = arith.addi %add3A_117, %add3A_301 : i32
          %sub3A_303 = arith.constant 1 : i32
          %sub3A_304 = arith.subi %add3A_302, %sub3A_303 : i32
          %mul3A_305 = arith.constant 512 : i32
          %mul3A_306 = arith.muli %sub3A_304, %mul3A_305 : i32
          %dma_start3A_307 = tpu.memref_slice %arg2[%mul3A_306, %mul3A_71] : memref<320000x128xf32, #tpu.memory_space<hbm>> -> memref<512x64xf32, #tpu.memory_space<hbm>>
          %dma_start3A_308 = tpu.memref_slice %arg2[%mul3A_306, %mul3A_71] : memref<320000x128xf32, #tpu.memory_space<hbm>> -> memref<512x64xf32, #tpu.memory_space<hbm>>
          tpu.enqueue_dma source(%dma_start3A_308 : memref<512x64xf32, #tpu.memory_space<hbm>>) target(%arg6 : memref<512x64xf32, #tpu.memory_space<vmem>>) target_semaphore(%arg16 : memref<!tpu.dma_semaphore, #tpu.memory_space<semaphore_mem>>)
          %mul3A_309 = arith.constant 4 : i32
          %mul3A_310 = arith.muli %sub3A_304, %mul3A_309 : i32
          %dma_start3A_311 = arith.constant 0 : i32
          %dma_start3A_312 = arith.constant 0 : i32
          %dma_start3A_313 = tpu.memref_slice %arg3[%mul3A_310, %dma_start3A_311, %dma_start3A_312] : memref<2500x1x128xi32, #tpu.memory_space<hbm>> -> memref<4x1x128xi32, #tpu.memory_space<hbm>>
          %dma_start3A_314 = arith.constant 0 : i32
          %dma_start3A_315 = arith.constant 0 : i32
          %dma_start3A_316 = tpu.memref_slice %arg3[%mul3A_310, %dma_start3A_314, %dma_start3A_315] : memref<2500x1x128xi32, #tpu.memory_space<hbm>> -> memref<4x1x128xi32, #tpu.memory_space<hbm>>
          tpu.enqueue_dma source(%dma_start3A_316 : memref<4x1x128xi32, #tpu.memory_space<hbm>>) target(%arg9 : memref<4x1x128xi32, #tpu.memory_space<vmem>>) target_semaphore(%arg16 : memref<!tpu.dma_semaphore, #tpu.memory_space<semaphore_mem>>)
        } else {
        }
        %dma_wait3A_225 = arith.constant 0 : i32
        %dma_wait3A_226 = arith.constant 0 : i32
        %dma_wait3A_227 = arith.constant 0 : i32
        %dma_wait3A_228 = arith.constant 0 : i32
        %dma_wait3A_229 = tpu.memref_slice %arg5[%dma_wait3A_227, %dma_wait3A_228] : memref<512x64xf32, #tpu.memory_space<vmem>> -> memref<128x64xf32, #tpu.memory_space<vmem>>
        %dma_wait3A_230 = arith.constant 0 : i32
        %dma_wait3A_231 = tpu.memref_slice %arg8[%dma_wait3A_225, %dma_wait3A_226, %dma_wait3A_230] : memref<4x1x128xi32, #tpu.memory_space<vmem>> -> memref<1x1x128xi32, #tpu.memory_space<vmem>>
        %dma_wait3A_232 = tpu.memref_squeeze %dma_wait3A_231 : memref<1x1x128xi32, #tpu.memory_space<vmem>> -> memref<128xi32, #tpu.memory_space<vmem>>
        %dma_wait3A_233 = arith.constant 0 : i32
        %dma_wait3A_234 = arith.constant 0 : i32
        %dma_wait3A_235 = tpu.memref_slice %arg13[%dma_wait3A_233, %dma_wait3A_234] : memref<10240x64xf32, #tpu.memory_space<vmem_shared>> -> memref<10240x64xf32, #tpu.memory_space<vmem_shared>>
        tpu.wait_indirect_dma semaphore(%arg18 : memref<!tpu.dma_semaphore, #tpu.memory_space<semaphore_mem>>) src(%dma_wait3A_229 : memref<128x64xf32, #tpu.memory_space<vmem>>) dst(%dma_wait3A_235 : memref<10240x64xf32, #tpu.memory_space<vmem_shared>>)
        %dma_wait3A_236 = arith.constant 0 : i32
        %dma_wait3A_237 = arith.constant 0 : i32
        %dma_wait3A_238 = arith.constant 0 : i32
        %dma_wait3A_239 = tpu.memref_slice %arg8[%dma_wait3A_236, %dma_wait3A_237, %dma_wait3A_238] : memref<4x1x128xi32, #tpu.memory_space<vmem>> -> memref<1x1x128xi32, #tpu.memory_space<vmem>>
        %dma_wait3A_240 = tpu.memref_squeeze %dma_wait3A_239 : memref<1x1x128xi32, #tpu.memory_space<vmem>> -> memref<128xi32, #tpu.memory_space<vmem>>
        %dma_wait3A_241 = arith.constant 0 : i32
        %dma_wait3A_242 = arith.constant 0 : i32
        %dma_wait3A_243 = tpu.memref_slice %arg14[%dma_wait3A_241, %dma_wait3A_242] : memref<10240x16xf32, #tpu.memory_space<vmem_shared>> -> memref<10240x16xf32, #tpu.memory_space<vmem_shared>>
        tpu.wait_indirect_dma semaphore(%arg18 : memref<!tpu.dma_semaphore, #tpu.memory_space<semaphore_mem>>) src(%arg11 : memref<128x16xf32, #tpu.memory_space<vmem>>) dst(%dma_wait3A_243 : memref<10240x16xf32, #tpu.memory_space<vmem_shared>>)
        %dma_wait3A_244 = arith.constant 1 : i32
        %dma_wait3A_245 = arith.constant 0 : i32
        %dma_wait3A_246 = arith.constant 128 : i32
        %dma_wait3A_247 = arith.constant 0 : i32
        %dma_wait3A_248 = tpu.memref_slice %arg5[%dma_wait3A_246, %dma_wait3A_247] : memref<512x64xf32, #tpu.memory_space<vmem>> -> memref<128x64xf32, #tpu.memory_space<vmem>>
        %dma_wait3A_249 = arith.constant 0 : i32
        %dma_wait3A_250 = tpu.memref_slice %arg8[%dma_wait3A_244, %dma_wait3A_245, %dma_wait3A_249] : memref<4x1x128xi32, #tpu.memory_space<vmem>> -> memref<1x1x128xi32, #tpu.memory_space<vmem>>
        %dma_wait3A_251 = tpu.memref_squeeze %dma_wait3A_250 : memref<1x1x128xi32, #tpu.memory_space<vmem>> -> memref<128xi32, #tpu.memory_space<vmem>>
        %dma_wait3A_252 = arith.constant 0 : i32
        %dma_wait3A_253 = arith.constant 0 : i32
        %dma_wait3A_254 = tpu.memref_slice %arg13[%dma_wait3A_252, %dma_wait3A_253] : memref<10240x64xf32, #tpu.memory_space<vmem_shared>> -> memref<10240x64xf32, #tpu.memory_space<vmem_shared>>
        tpu.wait_indirect_dma semaphore(%arg18 : memref<!tpu.dma_semaphore, #tpu.memory_space<semaphore_mem>>) src(%dma_wait3A_248 : memref<128x64xf32, #tpu.memory_space<vmem>>) dst(%dma_wait3A_254 : memref<10240x64xf32, #tpu.memory_space<vmem_shared>>)
        %dma_wait3A_255 = arith.constant 1 : i32
        %dma_wait3A_256 = arith.constant 0 : i32
        %dma_wait3A_257 = arith.constant 0 : i32
        %dma_wait3A_258 = tpu.memref_slice %arg8[%dma_wait3A_255, %dma_wait3A_256, %dma_wait3A_257] : memref<4x1x128xi32, #tpu.memory_space<vmem>> -> memref<1x1x128xi32, #tpu.memory_space<vmem>>
        %dma_wait3A_259 = tpu.memref_squeeze %dma_wait3A_258 : memref<1x1x128xi32, #tpu.memory_space<vmem>> -> memref<128xi32, #tpu.memory_space<vmem>>
        %dma_wait3A_260 = arith.constant 0 : i32
        %dma_wait3A_261 = arith.constant 0 : i32
        %dma_wait3A_262 = tpu.memref_slice %arg14[%dma_wait3A_260, %dma_wait3A_261] : memref<10240x16xf32, #tpu.memory_space<vmem_shared>> -> memref<10240x16xf32, #tpu.memory_space<vmem_shared>>
        tpu.wait_indirect_dma semaphore(%arg18 : memref<!tpu.dma_semaphore, #tpu.memory_space<semaphore_mem>>) src(%arg11 : memref<128x16xf32, #tpu.memory_space<vmem>>) dst(%dma_wait3A_262 : memref<10240x16xf32, #tpu.memory_space<vmem_shared>>)
        %dma_wait3A_263 = arith.constant 2 : i32
        %dma_wait3A_264 = arith.constant 0 : i32
        %dma_wait3A_265 = arith.constant 256 : i32
        %dma_wait3A_266 = arith.constant 0 : i32
        %dma_wait3A_267 = tpu.memref_slice %arg5[%dma_wait3A_265, %dma_wait3A_266] : memref<512x64xf32, #tpu.memory_space<vmem>> -> memref<128x64xf32, #tpu.memory_space<vmem>>
        %dma_wait3A_268 = arith.constant 0 : i32
        %dma_wait3A_269 = tpu.memref_slice %arg8[%dma_wait3A_263, %dma_wait3A_264, %dma_wait3A_268] : memref<4x1x128xi32, #tpu.memory_space<vmem>> -> memref<1x1x128xi32, #tpu.memory_space<vmem>>
        %dma_wait3A_270 = tpu.memref_squeeze %dma_wait3A_269 : memref<1x1x128xi32, #tpu.memory_space<vmem>> -> memref<128xi32, #tpu.memory_space<vmem>>
        %dma_wait3A_271 = arith.constant 0 : i32
        %dma_wait3A_272 = arith.constant 0 : i32
        %dma_wait3A_273 = tpu.memref_slice %arg13[%dma_wait3A_271, %dma_wait3A_272] : memref<10240x64xf32, #tpu.memory_space<vmem_shared>> -> memref<10240x64xf32, #tpu.memory_space<vmem_shared>>
        tpu.wait_indirect_dma semaphore(%arg18 : memref<!tpu.dma_semaphore, #tpu.memory_space<semaphore_mem>>) src(%dma_wait3A_267 : memref<128x64xf32, #tpu.memory_space<vmem>>) dst(%dma_wait3A_273 : memref<10240x64xf32, #tpu.memory_space<vmem_shared>>)
        %dma_wait3A_274 = arith.constant 2 : i32
        %dma_wait3A_275 = arith.constant 0 : i32
        %dma_wait3A_276 = arith.constant 0 : i32
        %dma_wait3A_277 = tpu.memref_slice %arg8[%dma_wait3A_274, %dma_wait3A_275, %dma_wait3A_276] : memref<4x1x128xi32, #tpu.memory_space<vmem>> -> memref<1x1x128xi32, #tpu.memory_space<vmem>>
        %dma_wait3A_278 = tpu.memref_squeeze %dma_wait3A_277 : memref<1x1x128xi32, #tpu.memory_space<vmem>> -> memref<128xi32, #tpu.memory_space<vmem>>
        %dma_wait3A_279 = arith.constant 0 : i32
        %dma_wait3A_280 = arith.constant 0 : i32
        %dma_wait3A_281 = tpu.memref_slice %arg14[%dma_wait3A_279, %dma_wait3A_280] : memref<10240x16xf32, #tpu.memory_space<vmem_shared>> -> memref<10240x16xf32, #tpu.memory_space<vmem_shared>>
        tpu.wait_indirect_dma semaphore(%arg18 : memref<!tpu.dma_semaphore, #tpu.memory_space<semaphore_mem>>) src(%arg11 : memref<128x16xf32, #tpu.memory_space<vmem>>) dst(%dma_wait3A_281 : memref<10240x16xf32, #tpu.memory_space<vmem_shared>>)
        %dma_wait3A_282 = arith.constant 3 : i32
        %dma_wait3A_283 = arith.constant 0 : i32
        %dma_wait3A_284 = arith.constant 384 : i32
        %dma_wait3A_285 = arith.constant 0 : i32
        %dma_wait3A_286 = tpu.memref_slice %arg5[%dma_wait3A_284, %dma_wait3A_285] : memref<512x64xf32, #tpu.memory_space<vmem>> -> memref<128x64xf32, #tpu.memory_space<vmem>>
        %dma_wait3A_287 = arith.constant 0 : i32
        %dma_wait3A_288 = tpu.memref_slice %arg8[%dma_wait3A_282, %dma_wait3A_283, %dma_wait3A_287] : memref<4x1x128xi32, #tpu.memory_space<vmem>> -> memref<1x1x128xi32, #tpu.memory_space<vmem>>
        %dma_wait3A_289 = tpu.memref_squeeze %dma_wait3A_288 : memref<1x1x128xi32, #tpu.memory_space<vmem>> -> memref<128xi32, #tpu.memory_space<vmem>>
        %dma_wait3A_290 = arith.constant 0 : i32
        %dma_wait3A_291 = arith.constant 0 : i32
        %dma_wait3A_292 = tpu.memref_slice %arg13[%dma_wait3A_290, %dma_wait3A_291] : memref<10240x64xf32, #tpu.memory_space<vmem_shared>> -> memref<10240x64xf32, #tpu.memory_space<vmem_shared>>
        tpu.wait_indirect_dma semaphore(%arg18 : memref<!tpu.dma_semaphore, #tpu.memory_space<semaphore_mem>>) src(%dma_wait3A_286 : memref<128x64xf32, #tpu.memory_space<vmem>>) dst(%dma_wait3A_292 : memref<10240x64xf32, #tpu.memory_space<vmem_shared>>)
        %dma_wait3A_293 = arith.constant 3 : i32
        %dma_wait3A_294 = arith.constant 0 : i32
        %dma_wait3A_295 = arith.constant 0 : i32
        %dma_wait3A_296 = tpu.memref_slice %arg8[%dma_wait3A_293, %dma_wait3A_294, %dma_wait3A_295] : memref<4x1x128xi32, #tpu.memory_space<vmem>> -> memref<1x1x128xi32, #tpu.memory_space<vmem>>
        %dma_wait3A_297 = tpu.memref_squeeze %dma_wait3A_296 : memref<1x1x128xi32, #tpu.memory_space<vmem>> -> memref<128xi32, #tpu.memory_space<vmem>>
        %dma_wait3A_298 = arith.constant 0 : i32
        %dma_wait3A_299 = arith.constant 0 : i32
        %dma_wait3A_300 = tpu.memref_slice %arg14[%dma_wait3A_298, %dma_wait3A_299] : memref<10240x16xf32, #tpu.memory_space<vmem_shared>> -> memref<10240x16xf32, #tpu.memory_space<vmem_shared>>
        tpu.wait_indirect_dma semaphore(%arg18 : memref<!tpu.dma_semaphore, #tpu.memory_space<semaphore_mem>>) src(%arg11 : memref<128x16xf32, #tpu.memory_space<vmem>>) dst(%dma_wait3A_300 : memref<10240x16xf32, #tpu.memory_space<vmem_shared>>)
      } else {
      }
      %mul3A_122 = arith.constant 2 : i32
      %mul3A_123 = arith.muli %scan3A_112, %mul3A_122 : i32
      %add3A_124 = arith.constant 1 : i32
      %add3A_125 = arith.addi %mul3A_123, %add3A_124 : i32
      %add3A_126 = arith.addi %select_n3A, %add3A_125 : i32
      %lt3A_127 = arith.cmpi slt, %add3A_126, %select_n3A_43 : i32
      %convert_element_type3A_128 = arith.extui %lt3A_127 : i1 to i32
      %cond3A_129 = arith.constant 0 : i32
      %cond3A_130 = arith.cmpi ne, %convert_element_type3A_128, %cond3A_129 : i32
      scf.if %cond3A_130 {
        %mul3A_131 = arith.constant 512 : i32
        %mul3A_132 = arith.muli %add3A_126, %mul3A_131 : i32
        %dma_wait3A = tpu.memref_slice %arg2[%mul3A_132, %mul3A_71] : memref<320000x128xf32, #tpu.memory_space<hbm>> -> memref<512x64xf32, #tpu.memory_space<hbm>>
        %dma_wait3A_133 = tpu.memref_slice %arg2[%mul3A_132, %mul3A_71] : memref<320000x128xf32, #tpu.memory_space<hbm>> -> memref<512x64xf32, #tpu.memory_space<hbm>>
        tpu.wait_dma2 semaphore(%arg16 : memref<!tpu.dma_semaphore, #tpu.memory_space<semaphore_mem>>) src(%dma_wait3A_133 : memref<512x64xf32, #tpu.memory_space<hbm>>) dst(%arg6 : memref<512x64xf32, #tpu.memory_space<vmem>>)
        %mul3A_134 = arith.constant 4 : i32
        %mul3A_135 = arith.muli %add3A_126, %mul3A_134 : i32
        %dma_wait3A_136 = arith.constant 0 : i32
        %dma_wait3A_137 = arith.constant 0 : i32
        %dma_wait3A_138 = tpu.memref_slice %arg3[%mul3A_135, %dma_wait3A_136, %dma_wait3A_137] : memref<2500x1x128xi32, #tpu.memory_space<hbm>> -> memref<4x1x128xi32, #tpu.memory_space<hbm>>
        %dma_wait3A_139 = arith.constant 0 : i32
        %dma_wait3A_140 = arith.constant 0 : i32
        %dma_wait3A_141 = tpu.memref_slice %arg3[%mul3A_135, %dma_wait3A_139, %dma_wait3A_140] : memref<2500x1x128xi32, #tpu.memory_space<hbm>> -> memref<4x1x128xi32, #tpu.memory_space<hbm>>
        tpu.wait_dma2 semaphore(%arg16 : memref<!tpu.dma_semaphore, #tpu.memory_space<semaphore_mem>>) src(%dma_wait3A_141 : memref<4x1x128xi32, #tpu.memory_space<hbm>>) dst(%arg9 : memref<4x1x128xi32, #tpu.memory_space<vmem>>)
        %dma_start3A = arith.constant 0 : i32
        %dma_start3A_142 = arith.constant 0 : i32
        %dma_start3A_143 = arith.constant 0 : i32
        %dma_start3A_144 = arith.constant 0 : i32
        %dma_start3A_145 = tpu.memref_slice %arg6[%dma_start3A_143, %dma_start3A_144] : memref<512x64xf32, #tpu.memory_space<vmem>> -> memref<128x64xf32, #tpu.memory_space<vmem>>
        %dma_start3A_146 = arith.constant 0 : i32
        %dma_start3A_147 = tpu.memref_slice %arg9[%dma_start3A, %dma_start3A_142, %dma_start3A_146] : memref<4x1x128xi32, #tpu.memory_space<vmem>> -> memref<1x1x128xi32, #tpu.memory_space<vmem>>
        %dma_start3A_148 = tpu.memref_squeeze %dma_start3A_147 : memref<1x1x128xi32, #tpu.memory_space<vmem>> -> memref<128xi32, #tpu.memory_space<vmem>>
        %dma_start3A_149 = arith.constant 0 : i32
        %dma_start3A_150 = arith.constant 0 : i32
        %dma_start3A_151 = tpu.memref_slice %arg13[%dma_start3A_149, %dma_start3A_150] : memref<10240x64xf32, #tpu.memory_space<vmem_shared>> -> memref<10240x64xf32, #tpu.memory_space<vmem_shared>>
        tpu.enqueue_indirect_dma source(%dma_start3A_145 : memref<128x64xf32, #tpu.memory_space<vmem>>) target(%dma_start3A_151 : memref<10240x64xf32, #tpu.memory_space<vmem_shared>>) offsets(%dma_start3A_148 : memref<128xi32, #tpu.memory_space<vmem>>) semaphore(%arg18 : memref<!tpu.dma_semaphore, #tpu.memory_space<semaphore_mem>>) {add = true}
        %dma_start3A_152 = arith.constant 0 : i32
        %dma_start3A_153 = arith.constant 0 : i32
        %dma_start3A_154 = arith.constant 0 : i32
        %dma_start3A_155 = tpu.memref_slice %arg9[%dma_start3A_152, %dma_start3A_153, %dma_start3A_154] : memref<4x1x128xi32, #tpu.memory_space<vmem>> -> memref<1x1x128xi32, #tpu.memory_space<vmem>>
        %dma_start3A_156 = tpu.memref_squeeze %dma_start3A_155 : memref<1x1x128xi32, #tpu.memory_space<vmem>> -> memref<128xi32, #tpu.memory_space<vmem>>
        %dma_start3A_157 = arith.constant 0 : i32
        %dma_start3A_158 = arith.constant 0 : i32
        %dma_start3A_159 = tpu.memref_slice %arg14[%dma_start3A_157, %dma_start3A_158] : memref<10240x16xf32, #tpu.memory_space<vmem_shared>> -> memref<10240x16xf32, #tpu.memory_space<vmem_shared>>
        tpu.enqueue_indirect_dma source(%arg11 : memref<128x16xf32, #tpu.memory_space<vmem>>) target(%dma_start3A_159 : memref<10240x16xf32, #tpu.memory_space<vmem_shared>>) offsets(%dma_start3A_156 : memref<128xi32, #tpu.memory_space<vmem>>) semaphore(%arg18 : memref<!tpu.dma_semaphore, #tpu.memory_space<semaphore_mem>>) {add = true}
        %dma_start3A_160 = arith.constant 1 : i32
        %dma_start3A_161 = arith.constant 0 : i32
        %dma_start3A_162 = arith.constant 128 : i32
        %dma_start3A_163 = arith.constant 0 : i32
        %dma_start3A_164 = tpu.memref_slice %arg6[%dma_start3A_162, %dma_start3A_163] : memref<512x64xf32, #tpu.memory_space<vmem>> -> memref<128x64xf32, #tpu.memory_space<vmem>>
        %dma_start3A_165 = arith.constant 0 : i32
        %dma_start3A_166 = tpu.memref_slice %arg9[%dma_start3A_160, %dma_start3A_161, %dma_start3A_165] : memref<4x1x128xi32, #tpu.memory_space<vmem>> -> memref<1x1x128xi32, #tpu.memory_space<vmem>>
        %dma_start3A_167 = tpu.memref_squeeze %dma_start3A_166 : memref<1x1x128xi32, #tpu.memory_space<vmem>> -> memref<128xi32, #tpu.memory_space<vmem>>
        %dma_start3A_168 = arith.constant 0 : i32
        %dma_start3A_169 = arith.constant 0 : i32
        %dma_start3A_170 = tpu.memref_slice %arg13[%dma_start3A_168, %dma_start3A_169] : memref<10240x64xf32, #tpu.memory_space<vmem_shared>> -> memref<10240x64xf32, #tpu.memory_space<vmem_shared>>
        tpu.enqueue_indirect_dma source(%dma_start3A_164 : memref<128x64xf32, #tpu.memory_space<vmem>>) target(%dma_start3A_170 : memref<10240x64xf32, #tpu.memory_space<vmem_shared>>) offsets(%dma_start3A_167 : memref<128xi32, #tpu.memory_space<vmem>>) semaphore(%arg18 : memref<!tpu.dma_semaphore, #tpu.memory_space<semaphore_mem>>) {add = true}
        %dma_start3A_171 = arith.constant 1 : i32
        %dma_start3A_172 = arith.constant 0 : i32
        %dma_start3A_173 = arith.constant 0 : i32
        %dma_start3A_174 = tpu.memref_slice %arg9[%dma_start3A_171, %dma_start3A_172, %dma_start3A_173] : memref<4x1x128xi32, #tpu.memory_space<vmem>> -> memref<1x1x128xi32, #tpu.memory_space<vmem>>
        %dma_start3A_175 = tpu.memref_squeeze %dma_start3A_174 : memref<1x1x128xi32, #tpu.memory_space<vmem>> -> memref<128xi32, #tpu.memory_space<vmem>>
        %dma_start3A_176 = arith.constant 0 : i32
        %dma_start3A_177 = arith.constant 0 : i32
        %dma_start3A_178 = tpu.memref_slice %arg14[%dma_start3A_176, %dma_start3A_177] : memref<10240x16xf32, #tpu.memory_space<vmem_shared>> -> memref<10240x16xf32, #tpu.memory_space<vmem_shared>>
        tpu.enqueue_indirect_dma source(%arg11 : memref<128x16xf32, #tpu.memory_space<vmem>>) target(%dma_start3A_178 : memref<10240x16xf32, #tpu.memory_space<vmem_shared>>) offsets(%dma_start3A_175 : memref<128xi32, #tpu.memory_space<vmem>>) semaphore(%arg18 : memref<!tpu.dma_semaphore, #tpu.memory_space<semaphore_mem>>) {add = true}
        %dma_start3A_179 = arith.constant 2 : i32
        %dma_start3A_180 = arith.constant 0 : i32
        %dma_start3A_181 = arith.constant 256 : i32
        %dma_start3A_182 = arith.constant 0 : i32
        %dma_start3A_183 = tpu.memref_slice %arg6[%dma_start3A_181, %dma_start3A_182] : memref<512x64xf32, #tpu.memory_space<vmem>> -> memref<128x64xf32, #tpu.memory_space<vmem>>
        %dma_start3A_184 = arith.constant 0 : i32
        %dma_start3A_185 = tpu.memref_slice %arg9[%dma_start3A_179, %dma_start3A_180, %dma_start3A_184] : memref<4x1x128xi32, #tpu.memory_space<vmem>> -> memref<1x1x128xi32, #tpu.memory_space<vmem>>
        %dma_start3A_186 = tpu.memref_squeeze %dma_start3A_185 : memref<1x1x128xi32, #tpu.memory_space<vmem>> -> memref<128xi32, #tpu.memory_space<vmem>>
        %dma_start3A_187 = arith.constant 0 : i32
        %dma_start3A_188 = arith.constant 0 : i32
        %dma_start3A_189 = tpu.memref_slice %arg13[%dma_start3A_187, %dma_start3A_188] : memref<10240x64xf32, #tpu.memory_space<vmem_shared>> -> memref<10240x64xf32, #tpu.memory_space<vmem_shared>>
        tpu.enqueue_indirect_dma source(%dma_start3A_183 : memref<128x64xf32, #tpu.memory_space<vmem>>) target(%dma_start3A_189 : memref<10240x64xf32, #tpu.memory_space<vmem_shared>>) offsets(%dma_start3A_186 : memref<128xi32, #tpu.memory_space<vmem>>) semaphore(%arg18 : memref<!tpu.dma_semaphore, #tpu.memory_space<semaphore_mem>>) {add = true}
        %dma_start3A_190 = arith.constant 2 : i32
        %dma_start3A_191 = arith.constant 0 : i32
        %dma_start3A_192 = arith.constant 0 : i32
        %dma_start3A_193 = tpu.memref_slice %arg9[%dma_start3A_190, %dma_start3A_191, %dma_start3A_192] : memref<4x1x128xi32, #tpu.memory_space<vmem>> -> memref<1x1x128xi32, #tpu.memory_space<vmem>>
        %dma_start3A_194 = tpu.memref_squeeze %dma_start3A_193 : memref<1x1x128xi32, #tpu.memory_space<vmem>> -> memref<128xi32, #tpu.memory_space<vmem>>
        %dma_start3A_195 = arith.constant 0 : i32
        %dma_start3A_196 = arith.constant 0 : i32
        %dma_start3A_197 = tpu.memref_slice %arg14[%dma_start3A_195, %dma_start3A_196] : memref<10240x16xf32, #tpu.memory_space<vmem_shared>> -> memref<10240x16xf32, #tpu.memory_space<vmem_shared>>
        tpu.enqueue_indirect_dma source(%arg11 : memref<128x16xf32, #tpu.memory_space<vmem>>) target(%dma_start3A_197 : memref<10240x16xf32, #tpu.memory_space<vmem_shared>>) offsets(%dma_start3A_194 : memref<128xi32, #tpu.memory_space<vmem>>) semaphore(%arg18 : memref<!tpu.dma_semaphore, #tpu.memory_space<semaphore_mem>>) {add = true}
        %dma_start3A_198 = arith.constant 3 : i32
        %dma_start3A_199 = arith.constant 0 : i32
        %dma_start3A_200 = arith.constant 384 : i32
        %dma_start3A_201 = arith.constant 0 : i32
        %dma_start3A_202 = tpu.memref_slice %arg6[%dma_start3A_200, %dma_start3A_201] : memref<512x64xf32, #tpu.memory_space<vmem>> -> memref<128x64xf32, #tpu.memory_space<vmem>>
        %dma_start3A_203 = arith.constant 0 : i32
        %dma_start3A_204 = tpu.memref_slice %arg9[%dma_start3A_198, %dma_start3A_199, %dma_start3A_203] : memref<4x1x128xi32, #tpu.memory_space<vmem>> -> memref<1x1x128xi32, #tpu.memory_space<vmem>>
        %dma_start3A_205 = tpu.memref_squeeze %dma_start3A_204 : memref<1x1x128xi32, #tpu.memory_space<vmem>> -> memref<128xi32, #tpu.memory_space<vmem>>
        %dma_start3A_206 = arith.constant 0 : i32
        %dma_start3A_207 = arith.constant 0 : i32
        %dma_start3A_208 = tpu.memref_slice %arg13[%dma_start3A_206, %dma_start3A_207] : memref<10240x64xf32, #tpu.memory_space<vmem_shared>> -> memref<10240x64xf32, #tpu.memory_space<vmem_shared>>
        tpu.enqueue_indirect_dma source(%dma_start3A_202 : memref<128x64xf32, #tpu.memory_space<vmem>>) target(%dma_start3A_208 : memref<10240x64xf32, #tpu.memory_space<vmem_shared>>) offsets(%dma_start3A_205 : memref<128xi32, #tpu.memory_space<vmem>>) semaphore(%arg18 : memref<!tpu.dma_semaphore, #tpu.memory_space<semaphore_mem>>) {add = true}
        %dma_start3A_209 = arith.constant 3 : i32
        %dma_start3A_210 = arith.constant 0 : i32
        %dma_start3A_211 = arith.constant 0 : i32
        %dma_start3A_212 = tpu.memref_slice %arg9[%dma_start3A_209, %dma_start3A_210, %dma_start3A_211] : memref<4x1x128xi32, #tpu.memory_space<vmem>> -> memref<1x1x128xi32, #tpu.memory_space<vmem>>
        %dma_start3A_213 = tpu.memref_squeeze %dma_start3A_212 : memref<1x1x128xi32, #tpu.memory_space<vmem>> -> memref<128xi32, #tpu.memory_space<vmem>>
        %dma_start3A_214 = arith.constant 0 : i32
        %dma_start3A_215 = arith.constant 0 : i32
        %dma_start3A_216 = tpu.memref_slice %arg14[%dma_start3A_214, %dma_start3A_215] : memref<10240x16xf32, #tpu.memory_space<vmem_shared>> -> memref<10240x16xf32, #tpu.memory_space<vmem_shared>>
        tpu.enqueue_indirect_dma source(%arg11 : memref<128x16xf32, #tpu.memory_space<vmem>>) target(%dma_start3A_216 : memref<10240x16xf32, #tpu.memory_space<vmem_shared>>) offsets(%dma_start3A_213 : memref<128xi32, #tpu.memory_space<vmem>>) semaphore(%arg18 : memref<!tpu.dma_semaphore, #tpu.memory_space<semaphore_mem>>) {add = true}
        %add3A_217 = arith.constant 2 : i32
        %add3A_218 = arith.addi %add3A_126, %add3A_217 : i32
        %sub3A_219 = arith.constant 1 : i32
        %sub3A_220 = arith.subi %add3A_218, %sub3A_219 : i32
        %lt3A_221 = arith.cmpi slt, %sub3A_220, %select_n3A_43 : i32
        %convert_element_type3A_222 = arith.extui %lt3A_221 : i1 to i32
        %cond3A_223 = arith.constant 0 : i32
        %cond3A_224 = arith.cmpi ne, %convert_element_type3A_222, %cond3A_223 : i32
        scf.if %cond3A_224 {
          %add3A_301 = arith.constant 2 : i32
          %add3A_302 = arith.addi %add3A_126, %add3A_301 : i32
          %sub3A_303 = arith.constant 1 : i32
          %sub3A_304 = arith.subi %add3A_302, %sub3A_303 : i32
          %mul3A_305 = arith.constant 512 : i32
          %mul3A_306 = arith.muli %sub3A_304, %mul3A_305 : i32
          %dma_start3A_307 = tpu.memref_slice %arg2[%mul3A_306, %mul3A_71] : memref<320000x128xf32, #tpu.memory_space<hbm>> -> memref<512x64xf32, #tpu.memory_space<hbm>>
          %dma_start3A_308 = tpu.memref_slice %arg2[%mul3A_306, %mul3A_71] : memref<320000x128xf32, #tpu.memory_space<hbm>> -> memref<512x64xf32, #tpu.memory_space<hbm>>
          tpu.enqueue_dma source(%dma_start3A_308 : memref<512x64xf32, #tpu.memory_space<hbm>>) target(%arg5 : memref<512x64xf32, #tpu.memory_space<vmem>>) target_semaphore(%arg15 : memref<!tpu.dma_semaphore, #tpu.memory_space<semaphore_mem>>)
          %mul3A_309 = arith.constant 4 : i32
          %mul3A_310 = arith.muli %sub3A_304, %mul3A_309 : i32
          %dma_start3A_311 = arith.constant 0 : i32
          %dma_start3A_312 = arith.constant 0 : i32
          %dma_start3A_313 = tpu.memref_slice %arg3[%mul3A_310, %dma_start3A_311, %dma_start3A_312] : memref<2500x1x128xi32, #tpu.memory_space<hbm>> -> memref<4x1x128xi32, #tpu.memory_space<hbm>>
          %dma_start3A_314 = arith.constant 0 : i32
          %dma_start3A_315 = arith.constant 0 : i32
          %dma_start3A_316 = tpu.memref_slice %arg3[%mul3A_310, %dma_start3A_314, %dma_start3A_315] : memref<2500x1x128xi32, #tpu.memory_space<hbm>> -> memref<4x1x128xi32, #tpu.memory_space<hbm>>
          tpu.enqueue_dma source(%dma_start3A_316 : memref<4x1x128xi32, #tpu.memory_space<hbm>>) target(%arg8 : memref<4x1x128xi32, #tpu.memory_space<vmem>>) target_semaphore(%arg15 : memref<!tpu.dma_semaphore, #tpu.memory_space<semaphore_mem>>)
        } else {
        }
        %dma_wait3A_225 = arith.constant 0 : i32
        %dma_wait3A_226 = arith.constant 0 : i32
        %dma_wait3A_227 = arith.constant 0 : i32
        %dma_wait3A_228 = arith.constant 0 : i32
        %dma_wait3A_229 = tpu.memref_slice %arg6[%dma_wait3A_227, %dma_wait3A_228] : memref<512x64xf32, #tpu.memory_space<vmem>> -> memref<128x64xf32, #tpu.memory_space<vmem>>
        %dma_wait3A_230 = arith.constant 0 : i32
        %dma_wait3A_231 = tpu.memref_slice %arg9[%dma_wait3A_225, %dma_wait3A_226, %dma_wait3A_230] : memref<4x1x128xi32, #tpu.memory_space<vmem>> -> memref<1x1x128xi32, #tpu.memory_space<vmem>>
        %dma_wait3A_232 = tpu.memref_squeeze %dma_wait3A_231 : memref<1x1x128xi32, #tpu.memory_space<vmem>> -> memref<128xi32, #tpu.memory_space<vmem>>
        %dma_wait3A_233 = arith.constant 0 : i32
        %dma_wait3A_234 = arith.constant 0 : i32
        %dma_wait3A_235 = tpu.memref_slice %arg13[%dma_wait3A_233, %dma_wait3A_234] : memref<10240x64xf32, #tpu.memory_space<vmem_shared>> -> memref<10240x64xf32, #tpu.memory_space<vmem_shared>>
        tpu.wait_indirect_dma semaphore(%arg18 : memref<!tpu.dma_semaphore, #tpu.memory_space<semaphore_mem>>) src(%dma_wait3A_229 : memref<128x64xf32, #tpu.memory_space<vmem>>) dst(%dma_wait3A_235 : memref<10240x64xf32, #tpu.memory_space<vmem_shared>>)
        %dma_wait3A_236 = arith.constant 0 : i32
        %dma_wait3A_237 = arith.constant 0 : i32
        %dma_wait3A_238 = arith.constant 0 : i32
        %dma_wait3A_239 = tpu.memref_slice %arg9[%dma_wait3A_236, %dma_wait3A_237, %dma_wait3A_238] : memref<4x1x128xi32, #tpu.memory_space<vmem>> -> memref<1x1x128xi32, #tpu.memory_space<vmem>>
        %dma_wait3A_240 = tpu.memref_squeeze %dma_wait3A_239 : memref<1x1x128xi32, #tpu.memory_space<vmem>> -> memref<128xi32, #tpu.memory_space<vmem>>
        %dma_wait3A_241 = arith.constant 0 : i32
        %dma_wait3A_242 = arith.constant 0 : i32
        %dma_wait3A_243 = tpu.memref_slice %arg14[%dma_wait3A_241, %dma_wait3A_242] : memref<10240x16xf32, #tpu.memory_space<vmem_shared>> -> memref<10240x16xf32, #tpu.memory_space<vmem_shared>>
        tpu.wait_indirect_dma semaphore(%arg18 : memref<!tpu.dma_semaphore, #tpu.memory_space<semaphore_mem>>) src(%arg11 : memref<128x16xf32, #tpu.memory_space<vmem>>) dst(%dma_wait3A_243 : memref<10240x16xf32, #tpu.memory_space<vmem_shared>>)
        %dma_wait3A_244 = arith.constant 1 : i32
        %dma_wait3A_245 = arith.constant 0 : i32
        %dma_wait3A_246 = arith.constant 128 : i32
        %dma_wait3A_247 = arith.constant 0 : i32
        %dma_wait3A_248 = tpu.memref_slice %arg6[%dma_wait3A_246, %dma_wait3A_247] : memref<512x64xf32, #tpu.memory_space<vmem>> -> memref<128x64xf32, #tpu.memory_space<vmem>>
        %dma_wait3A_249 = arith.constant 0 : i32
        %dma_wait3A_250 = tpu.memref_slice %arg9[%dma_wait3A_244, %dma_wait3A_245, %dma_wait3A_249] : memref<4x1x128xi32, #tpu.memory_space<vmem>> -> memref<1x1x128xi32, #tpu.memory_space<vmem>>
        %dma_wait3A_251 = tpu.memref_squeeze %dma_wait3A_250 : memref<1x1x128xi32, #tpu.memory_space<vmem>> -> memref<128xi32, #tpu.memory_space<vmem>>
        %dma_wait3A_252 = arith.constant 0 : i32
        %dma_wait3A_253 = arith.constant 0 : i32
        %dma_wait3A_254 = tpu.memref_slice %arg13[%dma_wait3A_252, %dma_wait3A_253] : memref<10240x64xf32, #tpu.memory_space<vmem_shared>> -> memref<10240x64xf32, #tpu.memory_space<vmem_shared>>
        tpu.wait_indirect_dma semaphore(%arg18 : memref<!tpu.dma_semaphore, #tpu.memory_space<semaphore_mem>>) src(%dma_wait3A_248 : memref<128x64xf32, #tpu.memory_space<vmem>>) dst(%dma_wait3A_254 : memref<10240x64xf32, #tpu.memory_space<vmem_shared>>)
        %dma_wait3A_255 = arith.constant 1 : i32
        %dma_wait3A_256 = arith.constant 0 : i32
        %dma_wait3A_257 = arith.constant 0 : i32
        %dma_wait3A_258 = tpu.memref_slice %arg9[%dma_wait3A_255, %dma_wait3A_256, %dma_wait3A_257] : memref<4x1x128xi32, #tpu.memory_space<vmem>> -> memref<1x1x128xi32, #tpu.memory_space<vmem>>
        %dma_wait3A_259 = tpu.memref_squeeze %dma_wait3A_258 : memref<1x1x128xi32, #tpu.memory_space<vmem>> -> memref<128xi32, #tpu.memory_space<vmem>>
        %dma_wait3A_260 = arith.constant 0 : i32
        %dma_wait3A_261 = arith.constant 0 : i32
        %dma_wait3A_262 = tpu.memref_slice %arg14[%dma_wait3A_260, %dma_wait3A_261] : memref<10240x16xf32, #tpu.memory_space<vmem_shared>> -> memref<10240x16xf32, #tpu.memory_space<vmem_shared>>
        tpu.wait_indirect_dma semaphore(%arg18 : memref<!tpu.dma_semaphore, #tpu.memory_space<semaphore_mem>>) src(%arg11 : memref<128x16xf32, #tpu.memory_space<vmem>>) dst(%dma_wait3A_262 : memref<10240x16xf32, #tpu.memory_space<vmem_shared>>)
        %dma_wait3A_263 = arith.constant 2 : i32
        %dma_wait3A_264 = arith.constant 0 : i32
        %dma_wait3A_265 = arith.constant 256 : i32
        %dma_wait3A_266 = arith.constant 0 : i32
        %dma_wait3A_267 = tpu.memref_slice %arg6[%dma_wait3A_265, %dma_wait3A_266] : memref<512x64xf32, #tpu.memory_space<vmem>> -> memref<128x64xf32, #tpu.memory_space<vmem>>
        %dma_wait3A_268 = arith.constant 0 : i32
        %dma_wait3A_269 = tpu.memref_slice %arg9[%dma_wait3A_263, %dma_wait3A_264, %dma_wait3A_268] : memref<4x1x128xi32, #tpu.memory_space<vmem>> -> memref<1x1x128xi32, #tpu.memory_space<vmem>>
        %dma_wait3A_270 = tpu.memref_squeeze %dma_wait3A_269 : memref<1x1x128xi32, #tpu.memory_space<vmem>> -> memref<128xi32, #tpu.memory_space<vmem>>
        %dma_wait3A_271 = arith.constant 0 : i32
        %dma_wait3A_272 = arith.constant 0 : i32
        %dma_wait3A_273 = tpu.memref_slice %arg13[%dma_wait3A_271, %dma_wait3A_272] : memref<10240x64xf32, #tpu.memory_space<vmem_shared>> -> memref<10240x64xf32, #tpu.memory_space<vmem_shared>>
        tpu.wait_indirect_dma semaphore(%arg18 : memref<!tpu.dma_semaphore, #tpu.memory_space<semaphore_mem>>) src(%dma_wait3A_267 : memref<128x64xf32, #tpu.memory_space<vmem>>) dst(%dma_wait3A_273 : memref<10240x64xf32, #tpu.memory_space<vmem_shared>>)
        %dma_wait3A_274 = arith.constant 2 : i32
        %dma_wait3A_275 = arith.constant 0 : i32
        %dma_wait3A_276 = arith.constant 0 : i32
        %dma_wait3A_277 = tpu.memref_slice %arg9[%dma_wait3A_274, %dma_wait3A_275, %dma_wait3A_276] : memref<4x1x128xi32, #tpu.memory_space<vmem>> -> memref<1x1x128xi32, #tpu.memory_space<vmem>>
        %dma_wait3A_278 = tpu.memref_squeeze %dma_wait3A_277 : memref<1x1x128xi32, #tpu.memory_space<vmem>> -> memref<128xi32, #tpu.memory_space<vmem>>
        %dma_wait3A_279 = arith.constant 0 : i32
        %dma_wait3A_280 = arith.constant 0 : i32
        %dma_wait3A_281 = tpu.memref_slice %arg14[%dma_wait3A_279, %dma_wait3A_280] : memref<10240x16xf32, #tpu.memory_space<vmem_shared>> -> memref<10240x16xf32, #tpu.memory_space<vmem_shared>>
        tpu.wait_indirect_dma semaphore(%arg18 : memref<!tpu.dma_semaphore, #tpu.memory_space<semaphore_mem>>) src(%arg11 : memref<128x16xf32, #tpu.memory_space<vmem>>) dst(%dma_wait3A_281 : memref<10240x16xf32, #tpu.memory_space<vmem_shared>>)
        %dma_wait3A_282 = arith.constant 3 : i32
        %dma_wait3A_283 = arith.constant 0 : i32
        %dma_wait3A_284 = arith.constant 384 : i32
        %dma_wait3A_285 = arith.constant 0 : i32
        %dma_wait3A_286 = tpu.memref_slice %arg6[%dma_wait3A_284, %dma_wait3A_285] : memref<512x64xf32, #tpu.memory_space<vmem>> -> memref<128x64xf32, #tpu.memory_space<vmem>>
        %dma_wait3A_287 = arith.constant 0 : i32
        %dma_wait3A_288 = tpu.memref_slice %arg9[%dma_wait3A_282, %dma_wait3A_283, %dma_wait3A_287] : memref<4x1x128xi32, #tpu.memory_space<vmem>> -> memref<1x1x128xi32, #tpu.memory_space<vmem>>
        %dma_wait3A_289 = tpu.memref_squeeze %dma_wait3A_288 : memref<1x1x128xi32, #tpu.memory_space<vmem>> -> memref<128xi32, #tpu.memory_space<vmem>>
        %dma_wait3A_290 = arith.constant 0 : i32
        %dma_wait3A_291 = arith.constant 0 : i32
        %dma_wait3A_292 = tpu.memref_slice %arg13[%dma_wait3A_290, %dma_wait3A_291] : memref<10240x64xf32, #tpu.memory_space<vmem_shared>> -> memref<10240x64xf32, #tpu.memory_space<vmem_shared>>
        tpu.wait_indirect_dma semaphore(%arg18 : memref<!tpu.dma_semaphore, #tpu.memory_space<semaphore_mem>>) src(%dma_wait3A_286 : memref<128x64xf32, #tpu.memory_space<vmem>>) dst(%dma_wait3A_292 : memref<10240x64xf32, #tpu.memory_space<vmem_shared>>)
        %dma_wait3A_293 = arith.constant 3 : i32
        %dma_wait3A_294 = arith.constant 0 : i32
        %dma_wait3A_295 = arith.constant 0 : i32
        %dma_wait3A_296 = tpu.memref_slice %arg9[%dma_wait3A_293, %dma_wait3A_294, %dma_wait3A_295] : memref<4x1x128xi32, #tpu.memory_space<vmem>> -> memref<1x1x128xi32, #tpu.memory_space<vmem>>
        %dma_wait3A_297 = tpu.memref_squeeze %dma_wait3A_296 : memref<1x1x128xi32, #tpu.memory_space<vmem>> -> memref<128xi32, #tpu.memory_space<vmem>>
        %dma_wait3A_298 = arith.constant 0 : i32
        %dma_wait3A_299 = arith.constant 0 : i32
        %dma_wait3A_300 = tpu.memref_slice %arg14[%dma_wait3A_298, %dma_wait3A_299] : memref<10240x16xf32, #tpu.memory_space<vmem_shared>> -> memref<10240x16xf32, #tpu.memory_space<vmem_shared>>
        tpu.wait_indirect_dma semaphore(%arg18 : memref<!tpu.dma_semaphore, #tpu.memory_space<semaphore_mem>>) src(%arg11 : memref<128x16xf32, #tpu.memory_space<vmem>>) dst(%dma_wait3A_300 : memref<10240x16xf32, #tpu.memory_space<vmem_shared>>)
      } else {
      }
    }
    %scan3A_80 = arith.constant 20 : i32
    %barrier3A_81 = arith.constant 0 : index
    tpu.barrier barrier_id(%barrier3A_81)
    %mul3A_82 = arith.constant 640 : i32
    %mul3A_83 = arith.muli %arg1, %mul3A_82 : i32
    "tpu.region"() ({
      %run_scoped3A = tpu.sem_alloc : memref<!tpu.dma_semaphore, #tpu.memory_space<semaphore_mem>>
      %dma_start3A = arith.constant 0 : i32
      %dma_start3A_112 = tpu.memref_slice %arg14[%mul3A_83, %dma_start3A] : memref<10240x16xf32, #tpu.memory_space<vmem_shared>> -> memref<640x16xf32, #tpu.memory_space<vmem_shared>>
      %dma_start3A_113 = arith.constant 0 : i32
      %dma_start3A_114 = tpu.memref_slice %arg14[%mul3A_83, %dma_start3A_113] : memref<10240x16xf32, #tpu.memory_space<vmem_shared>> -> memref<640x16xf32, #tpu.memory_space<vmem_shared>>
      tpu.enqueue_dma source(%dma_start3A_114 : memref<640x16xf32, #tpu.memory_space<vmem_shared>>) target(%arg12 : memref<640x16xf32, #tpu.memory_space<vmem>>) target_semaphore(%run_scoped3A : memref<!tpu.dma_semaphore, #tpu.memory_space<semaphore_mem>>)
      %dma_wait3A = arith.constant 0 : i32
      %dma_wait3A_115 = tpu.memref_slice %arg14[%mul3A_83, %dma_wait3A] : memref<10240x16xf32, #tpu.memory_space<vmem_shared>> -> memref<640x16xf32, #tpu.memory_space<vmem_shared>>
      %dma_wait3A_116 = arith.constant 0 : i32
      %dma_wait3A_117 = tpu.memref_slice %arg14[%mul3A_83, %dma_wait3A_116] : memref<10240x16xf32, #tpu.memory_space<vmem_shared>> -> memref<640x16xf32, #tpu.memory_space<vmem_shared>>
      tpu.wait_dma2 semaphore(%run_scoped3A : memref<!tpu.dma_semaphore, #tpu.memory_space<semaphore_mem>>) src(%dma_wait3A_117 : memref<640x16xf32, #tpu.memory_space<vmem_shared>>) dst(%arg12 : memref<640x16xf32, #tpu.memory_space<vmem>>)
      tpu.yield
    }) : () -> ()
    %mul3A_84 = arith.constant 640 : i32
    %mul3A_85 = arith.muli %arg1, %mul3A_84 : i32
    %add3A_86 = arith.constant 0 : i32
    %add3A_87 = arith.addi %mul3A_85, %add3A_86 : i32
    "tpu.region"() ({
      %run_scoped3A = tpu.sem_alloc : memref<!tpu.dma_semaphore, #tpu.memory_space<semaphore_mem>>
      %dma_start3A = arith.constant 0 : i32
      %dma_start3A_112 = arith.constant 0 : i32
      %dma_start3A_113 = tpu.memref_slice %arg5[%dma_start3A, %dma_start3A_112] : memref<512x64xf32, #tpu.memory_space<vmem>> -> memref<512x64xf32, #tpu.memory_space<vmem>>
      %dma_start3A_114 = arith.constant 0 : i32
      %dma_start3A_115 = tpu.memref_slice %arg13[%add3A_87, %dma_start3A_114] : memref<10240x64xf32, #tpu.memory_space<vmem_shared>> -> memref<512x64xf32, #tpu.memory_space<vmem_shared>>
      %dma_start3A_116 = arith.constant 0 : i32
      %dma_start3A_117 = arith.constant 0 : i32
      %dma_start3A_118 = tpu.memref_slice %arg5[%dma_start3A_116, %dma_start3A_117] : memref<512x64xf32, #tpu.memory_space<vmem>> -> memref<512x64xf32, #tpu.memory_space<vmem>>
      %dma_start3A_119 = arith.constant 0 : i32
      %dma_start3A_120 = tpu.memref_slice %arg13[%add3A_87, %dma_start3A_119] : memref<10240x64xf32, #tpu.memory_space<vmem_shared>> -> memref<512x64xf32, #tpu.memory_space<vmem_shared>>
      tpu.enqueue_dma source(%dma_start3A_120 : memref<512x64xf32, #tpu.memory_space<vmem_shared>>) target(%dma_start3A_118 : memref<512x64xf32, #tpu.memory_space<vmem>>) target_semaphore(%run_scoped3A : memref<!tpu.dma_semaphore, #tpu.memory_space<semaphore_mem>>)
      %dma_wait3A = arith.constant 0 : i32
      %dma_wait3A_121 = arith.constant 0 : i32
      %dma_wait3A_122 = tpu.memref_slice %arg5[%dma_wait3A, %dma_wait3A_121] : memref<512x64xf32, #tpu.memory_space<vmem>> -> memref<512x64xf32, #tpu.memory_space<vmem>>
      %dma_wait3A_123 = arith.constant 0 : i32
      %dma_wait3A_124 = tpu.memref_slice %arg13[%add3A_87, %dma_wait3A_123] : memref<10240x64xf32, #tpu.memory_space<vmem_shared>> -> memref<512x64xf32, #tpu.memory_space<vmem_shared>>
      %dma_wait3A_125 = arith.constant 0 : i32
      %dma_wait3A_126 = arith.constant 0 : i32
      %dma_wait3A_127 = tpu.memref_slice %arg5[%dma_wait3A_125, %dma_wait3A_126] : memref<512x64xf32, #tpu.memory_space<vmem>> -> memref<512x64xf32, #tpu.memory_space<vmem>>
      %dma_wait3A_128 = arith.constant 0 : i32
      %dma_wait3A_129 = tpu.memref_slice %arg13[%add3A_87, %dma_wait3A_128] : memref<10240x64xf32, #tpu.memory_space<vmem_shared>> -> memref<512x64xf32, #tpu.memory_space<vmem_shared>>
      tpu.wait_dma2 semaphore(%run_scoped3A : memref<!tpu.dma_semaphore, #tpu.memory_space<semaphore_mem>>) src(%dma_wait3A_129 : memref<512x64xf32, #tpu.memory_space<vmem_shared>>) dst(%dma_wait3A_127 : memref<512x64xf32, #tpu.memory_space<vmem>>)
      tpu.yield
    }) : () -> ()
    %scan3A_88 = arith.constant 0 : i32
    %scan3A_89 = arith.constant 0 : i32
    %scan3A_90 = arith.constant 512 : i32
    %scan3A_91 = arith.addi %scan3A_89, %scan3A_90 : i32
    %scan3A_92 = arith.constant 1 : i32
    scf.for %scan3A_112 = %scan3A_89 to %scan3A_91 step %scan3A_92  : i32 {
      %add3A_113 = arith.constant 0 : i32
      %add3A_114 = arith.addi %add3A_113, %scan3A_112 : i32
      %get3A = arith.index_cast %add3A_114 : i32 to index
      %get3A_115 = arith.constant 0 : index
      %get3A_116 = tpu.vector_load %arg12[%get3A, %get3A_115] {strides = array<i32>} : memref<640x16xf32, #tpu.memory_space<vmem>>, vector<1x16xf32>,
      %get3A_117 = vector.shape_cast %get3A_116 : vector<1x16xf32> to vector<16xf32>
      %max3A = arith.maximumf %get3A_117, %broadcast_in_dim3A_59 : vector<16xf32>
      %div3A_118 = arith.divf %broadcast_in_dim3A_59, %max3A : vector<16xf32>
      %get3A_119 = arith.index_cast %scan3A_112 : i32 to index
      %get3A_120 = arith.constant 0 : index
      %get3A_121 = tpu.vector_load %arg5[%get3A_119, %get3A_120] {strides = array<i32>} : memref<512x64xf32, #tpu.memory_space<vmem>>, vector<1x16xf32>,
      %get3A_122 = vector.shape_cast %get3A_121 : vector<1x16xf32> to vector<16xf32>
      %mul3A_123 = arith.mulf %get3A_122, %div3A_118 : vector<16xf32>
      %swap3A = arith.index_cast %scan3A_112 : i32 to index
      %swap3A_124 = arith.constant 0 : index
      %swap3A_125 = tpu.vector_load %arg5[%swap3A, %swap3A_124] {strides = array<i32>} : memref<512x64xf32, #tpu.memory_space<vmem>>, vector<1x16xf32>,
      %swap3A_126 = vector.shape_cast %swap3A_125 : vector<1x16xf32> to vector<16xf32>
      %swap3A_127 = vector.shape_cast %mul3A_123 : vector<16xf32> to vector<1x16xf32>
      tpu.vector_store %arg5[%swap3A, %swap3A_124], %swap3A_127 {strides = array<i32>} : memref<512x64xf32, #tpu.memory_space<vmem>>, vector<1x16xf32>,
      %get3A_128 = arith.index_cast %scan3A_112 : i32 to index
      %get3A_129 = arith.constant 16 : index
      %get3A_130 = tpu.vector_load %arg5[%get3A_128, %get3A_129] {strides = array<i32>} : memref<512x64xf32, #tpu.memory_space<vmem>>, vector<1x16xf32>,
      %get3A_131 = vector.shape_cast %get3A_130 : vector<1x16xf32> to vector<16xf32>
      %mul3A_132 = arith.mulf %get3A_131, %div3A_118 : vector<16xf32>
      %swap3A_133 = arith.index_cast %scan3A_112 : i32 to index
      %swap3A_134 = arith.constant 16 : index
      %swap3A_135 = tpu.vector_load %arg5[%swap3A_133, %swap3A_134] {strides = array<i32>} : memref<512x64xf32, #tpu.memory_space<vmem>>, vector<1x16xf32>,
      %swap3A_136 = vector.shape_cast %swap3A_135 : vector<1x16xf32> to vector<16xf32>
      %swap3A_137 = vector.shape_cast %mul3A_132 : vector<16xf32> to vector<1x16xf32>
      tpu.vector_store %arg5[%swap3A_133, %swap3A_134], %swap3A_137 {strides = array<i32>} : memref<512x64xf32, #tpu.memory_space<vmem>>, vector<1x16xf32>,
      %get3A_138 = arith.index_cast %scan3A_112 : i32 to index
      %get3A_139 = arith.constant 32 : index
      %get3A_140 = tpu.vector_load %arg5[%get3A_138, %get3A_139] {strides = array<i32>} : memref<512x64xf32, #tpu.memory_space<vmem>>, vector<1x16xf32>,
      %get3A_141 = vector.shape_cast %get3A_140 : vector<1x16xf32> to vector<16xf32>
      %mul3A_142 = arith.mulf %get3A_141, %div3A_118 : vector<16xf32>
      %swap3A_143 = arith.index_cast %scan3A_112 : i32 to index
      %swap3A_144 = arith.constant 32 : index
      %swap3A_145 = tpu.vector_load %arg5[%swap3A_143, %swap3A_144] {strides = array<i32>} : memref<512x64xf32, #tpu.memory_space<vmem>>, vector<1x16xf32>,
      %swap3A_146 = vector.shape_cast %swap3A_145 : vector<1x16xf32> to vector<16xf32>
      %swap3A_147 = vector.shape_cast %mul3A_142 : vector<16xf32> to vector<1x16xf32>
      tpu.vector_store %arg5[%swap3A_143, %swap3A_144], %swap3A_147 {strides = array<i32>} : memref<512x64xf32, #tpu.memory_space<vmem>>, vector<1x16xf32>,
      %get3A_148 = arith.index_cast %scan3A_112 : i32 to index
      %get3A_149 = arith.constant 48 : index
      %get3A_150 = tpu.vector_load %arg5[%get3A_148, %get3A_149] {strides = array<i32>} : memref<512x64xf32, #tpu.memory_space<vmem>>, vector<1x16xf32>,
      %get3A_151 = vector.shape_cast %get3A_150 : vector<1x16xf32> to vector<16xf32>
      %mul3A_152 = arith.mulf %get3A_151, %div3A_118 : vector<16xf32>
      %swap3A_153 = arith.index_cast %scan3A_112 : i32 to index
      %swap3A_154 = arith.constant 48 : index
      %swap3A_155 = tpu.vector_load %arg5[%swap3A_153, %swap3A_154] {strides = array<i32>} : memref<512x64xf32, #tpu.memory_space<vmem>>, vector<1x16xf32>,
      %swap3A_156 = vector.shape_cast %swap3A_155 : vector<1x16xf32> to vector<16xf32>
      %swap3A_157 = vector.shape_cast %mul3A_152 : vector<16xf32> to vector<1x16xf32>
      tpu.vector_store %arg5[%swap3A_153, %swap3A_154], %swap3A_157 {strides = array<i32>} : memref<512x64xf32, #tpu.memory_space<vmem>>, vector<1x16xf32>,
    }
    %scan3A_93 = arith.constant 512 : i32
    %mul3A_94 = arith.constant 640 : i32
    %mul3A_95 = arith.muli %arg1, %mul3A_94 : i32
    %add3A_96 = arith.constant 0 : i32
    %add3A_97 = arith.addi %mul3A_95, %add3A_96 : i32
    "tpu.region"() ({
      %run_scoped3A = tpu.sem_alloc : memref<!tpu.dma_semaphore, #tpu.memory_space<semaphore_mem>>
      %dma_start3A = arith.constant 0 : i32
      %dma_start3A_112 = arith.constant 0 : i32
      %dma_start3A_113 = tpu.memref_slice %arg5[%dma_start3A, %dma_start3A_112] : memref<512x64xf32, #tpu.memory_space<vmem>> -> memref<512x64xf32, #tpu.memory_space<vmem>>
      %dma_start3A_114 = arith.constant 0 : i32
      %dma_start3A_115 = tpu.memref_slice %arg4[%arg0, %add3A_97, %dma_start3A_114] : memref<2x10240x64xf32, #tpu.memory_space<hbm>> -> memref<1x512x64xf32, #tpu.memory_space<hbm>>
      %dma_start3A_116 = tpu.memref_squeeze %dma_start3A_115 : memref<1x512x64xf32, #tpu.memory_space<hbm>> -> memref<512x64xf32, #tpu.memory_space<hbm>>
      %dma_start3A_117 = arith.constant 0 : i32
      %dma_start3A_118 = tpu.memref_slice %arg4[%arg0, %add3A_97, %dma_start3A_117] : memref<2x10240x64xf32, #tpu.memory_space<hbm>> -> memref<1x512x64xf32, #tpu.memory_space<hbm>>
      %dma_start3A_119 = tpu.memref_squeeze %dma_start3A_118 : memref<1x512x64xf32, #tpu.memory_space<hbm>> -> memref<512x64xf32, #tpu.memory_space<hbm>>
      %dma_start3A_120 = arith.constant 0 : i32
      %dma_start3A_121 = arith.constant 0 : i32
      %dma_start3A_122 = tpu.memref_slice %arg5[%dma_start3A_120, %dma_start3A_121] : memref<512x64xf32, #tpu.memory_space<vmem>> -> memref<512x64xf32, #tpu.memory_space<vmem>>
      tpu.enqueue_dma source(%dma_start3A_122 : memref<512x64xf32, #tpu.memory_space<vmem>>) target(%dma_start3A_119 : memref<512x64xf32, #tpu.memory_space<hbm>>) target_semaphore(%run_scoped3A : memref<!tpu.dma_semaphore, #tpu.memory_space<semaphore_mem>>)
      %dma_wait3A = arith.constant 0 : i32
      %dma_wait3A_123 = arith.constant 0 : i32
      %dma_wait3A_124 = tpu.memref_slice %arg5[%dma_wait3A, %dma_wait3A_123] : memref<512x64xf32, #tpu.memory_space<vmem>> -> memref<512x64xf32, #tpu.memory_space<vmem>>
      %dma_wait3A_125 = arith.constant 0 : i32
      %dma_wait3A_126 = tpu.memref_slice %arg4[%arg0, %add3A_97, %dma_wait3A_125] : memref<2x10240x64xf32, #tpu.memory_space<hbm>> -> memref<1x512x64xf32, #tpu.memory_space<hbm>>
      %dma_wait3A_127 = tpu.memref_squeeze %dma_wait3A_126 : memref<1x512x64xf32, #tpu.memory_space<hbm>> -> memref<512x64xf32, #tpu.memory_space<hbm>>
      %dma_wait3A_128 = arith.constant 0 : i32
      %dma_wait3A_129 = tpu.memref_slice %arg4[%arg0, %add3A_97, %dma_wait3A_128] : memref<2x10240x64xf32, #tpu.memory_space<hbm>> -> memref<1x512x64xf32, #tpu.memory_space<hbm>>
      %dma_wait3A_130 = tpu.memref_squeeze %dma_wait3A_129 : memref<1x512x64xf32, #tpu.memory_space<hbm>> -> memref<512x64xf32, #tpu.memory_space<hbm>>
      %dma_wait3A_131 = arith.constant 0 : i32
      %dma_wait3A_132 = arith.constant 0 : i32
      %dma_wait3A_133 = tpu.memref_slice %arg5[%dma_wait3A_131, %dma_wait3A_132] : memref<512x64xf32, #tpu.memory_space<vmem>> -> memref<512x64xf32, #tpu.memory_space<vmem>>
      tpu.wait_dma2 semaphore(%run_scoped3A : memref<!tpu.dma_semaphore, #tpu.memory_space<semaphore_mem>>) src(%dma_wait3A_133 : memref<512x64xf32, #tpu.memory_space<vmem>>) dst(%dma_wait3A_130 : memref<512x64xf32, #tpu.memory_space<hbm>>)
      tpu.yield
    }) : () -> ()
    %mul3A_98 = arith.constant 640 : i32
    %mul3A_99 = arith.muli %arg1, %mul3A_98 : i32
    %add3A_100 = arith.constant 512 : i32
    %add3A_101 = arith.addi %mul3A_99, %add3A_100 : i32
    "tpu.region"() ({
      %run_scoped3A = tpu.sem_alloc : memref<!tpu.dma_semaphore, #tpu.memory_space<semaphore_mem>>
      %dma_start3A = arith.constant 0 : i32
      %dma_start3A_112 = arith.constant 0 : i32
      %dma_start3A_113 = tpu.memref_slice %arg5[%dma_start3A, %dma_start3A_112] : memref<512x64xf32, #tpu.memory_space<vmem>> -> memref<128x64xf32, #tpu.memory_space<vmem>>
      %dma_start3A_114 = arith.constant 0 : i32
      %dma_start3A_115 = tpu.memref_slice %arg13[%add3A_101, %dma_start3A_114] : memref<10240x64xf32, #tpu.memory_space<vmem_shared>> -> memref<128x64xf32, #tpu.memory_space<vmem_shared>>
      %dma_start3A_116 = arith.constant 0 : i32
      %dma_start3A_117 = arith.constant 0 : i32
      %dma_start3A_118 = tpu.memref_slice %arg5[%dma_start3A_116, %dma_start3A_117] : memref<512x64xf32, #tpu.memory_space<vmem>> -> memref<128x64xf32, #tpu.memory_space<vmem>>
      %dma_start3A_119 = arith.constant 0 : i32
      %dma_start3A_120 = tpu.memref_slice %arg13[%add3A_101, %dma_start3A_119] : memref<10240x64xf32, #tpu.memory_space<vmem_shared>> -> memref<128x64xf32, #tpu.memory_space<vmem_shared>>
      tpu.enqueue_dma source(%dma_start3A_120 : memref<128x64xf32, #tpu.memory_space<vmem_shared>>) target(%dma_start3A_118 : memref<128x64xf32, #tpu.memory_space<vmem>>) target_semaphore(%run_scoped3A : memref<!tpu.dma_semaphore, #tpu.memory_space<semaphore_mem>>)
      %dma_wait3A = arith.constant 0 : i32
      %dma_wait3A_121 = arith.constant 0 : i32
      %dma_wait3A_122 = tpu.memref_slice %arg5[%dma_wait3A, %dma_wait3A_121] : memref<512x64xf32, #tpu.memory_space<vmem>> -> memref<128x64xf32, #tpu.memory_space<vmem>>
      %dma_wait3A_123 = arith.constant 0 : i32
      %dma_wait3A_124 = tpu.memref_slice %arg13[%add3A_101, %dma_wait3A_123] : memref<10240x64xf32, #tpu.memory_space<vmem_shared>> -> memref<128x64xf32, #tpu.memory_space<vmem_shared>>
      %dma_wait3A_125 = arith.constant 0 : i32
      %dma_wait3A_126 = arith.constant 0 : i32
      %dma_wait3A_127 = tpu.memref_slice %arg5[%dma_wait3A_125, %dma_wait3A_126] : memref<512x64xf32, #tpu.memory_space<vmem>> -> memref<128x64xf32, #tpu.memory_space<vmem>>
      %dma_wait3A_128 = arith.constant 0 : i32
      %dma_wait3A_129 = tpu.memref_slice %arg13[%add3A_101, %dma_wait3A_128] : memref<10240x64xf32, #tpu.memory_space<vmem_shared>> -> memref<128x64xf32, #tpu.memory_space<vmem_shared>>
      tpu.wait_dma2 semaphore(%run_scoped3A : memref<!tpu.dma_semaphore, #tpu.memory_space<semaphore_mem>>) src(%dma_wait3A_129 : memref<128x64xf32, #tpu.memory_space<vmem_shared>>) dst(%dma_wait3A_127 : memref<128x64xf32, #tpu.memory_space<vmem>>)
      tpu.yield
    }) : () -> ()
    %scan3A_102 = arith.constant 0 : i32
    %scan3A_103 = arith.constant 0 : i32
    %scan3A_104 = arith.constant 128 : i32
    %scan3A_105 = arith.addi %scan3A_103, %scan3A_104 : i32
    %scan3A_106 = arith.constant 1 : i32
    scf.for %scan3A_112 = %scan3A_103 to %scan3A_105 step %scan3A_106  : i32 {
      %add3A_113 = arith.constant 512 : i32
      %add3A_114 = arith.addi %add3A_113, %scan3A_112 : i32
      %get3A = arith.index_cast %add3A_114 : i32 to index
      %get3A_115 = arith.constant 0 : index
      %get3A_116 = tpu.vector_load %arg12[%get3A, %get3A_115] {strides = array<i32>} : memref<640x16xf32, #tpu.memory_space<vmem>>, vector<1x16xf32>,
      %get3A_117 = vector.shape_cast %get3A_116 : vector<1x16xf32> to vector<16xf32>
      %max3A = arith.maximumf %get3A_117, %broadcast_in_dim3A_59 : vector<16xf32>
      %div3A_118 = arith.divf %broadcast_in_dim3A_59, %max3A : vector<16xf32>
      %get3A_119 = arith.index_cast %scan3A_112 : i32 to index
      %get3A_120 = arith.constant 0 : index
      %get3A_121 = tpu.vector_load %arg5[%get3A_119, %get3A_120] {strides = array<i32>} : memref<512x64xf32, #tpu.memory_space<vmem>>, vector<1x16xf32>,
      %get3A_122 = vector.shape_cast %get3A_121 : vector<1x16xf32> to vector<16xf32>
      %mul3A_123 = arith.mulf %get3A_122, %div3A_118 : vector<16xf32>
      %swap3A = arith.index_cast %scan3A_112 : i32 to index
      %swap3A_124 = arith.constant 0 : index
      %swap3A_125 = tpu.vector_load %arg5[%swap3A, %swap3A_124] {strides = array<i32>} : memref<512x64xf32, #tpu.memory_space<vmem>>, vector<1x16xf32>,
      %swap3A_126 = vector.shape_cast %swap3A_125 : vector<1x16xf32> to vector<16xf32>
      %swap3A_127 = vector.shape_cast %mul3A_123 : vector<16xf32> to vector<1x16xf32>
      tpu.vector_store %arg5[%swap3A, %swap3A_124], %swap3A_127 {strides = array<i32>} : memref<512x64xf32, #tpu.memory_space<vmem>>, vector<1x16xf32>,
      %get3A_128 = arith.index_cast %scan3A_112 : i32 to index
      %get3A_129 = arith.constant 16 : index
      %get3A_130 = tpu.vector_load %arg5[%get3A_128, %get3A_129] {strides = array<i32>} : memref<512x64xf32, #tpu.memory_space<vmem>>, vector<1x16xf32>,
      %get3A_131 = vector.shape_cast %get3A_130 : vector<1x16xf32> to vector<16xf32>
      %mul3A_132 = arith.mulf %get3A_131, %div3A_118 : vector<16xf32>
      %swap3A_133 = arith.index_cast %scan3A_112 : i32 to index
      %swap3A_134 = arith.constant 16 : index
      %swap3A_135 = tpu.vector_load %arg5[%swap3A_133, %swap3A_134] {strides = array<i32>} : memref<512x64xf32, #tpu.memory_space<vmem>>, vector<1x16xf32>,
      %swap3A_136 = vector.shape_cast %swap3A_135 : vector<1x16xf32> to vector<16xf32>
      %swap3A_137 = vector.shape_cast %mul3A_132 : vector<16xf32> to vector<1x16xf32>
      tpu.vector_store %arg5[%swap3A_133, %swap3A_134], %swap3A_137 {strides = array<i32>} : memref<512x64xf32, #tpu.memory_space<vmem>>, vector<1x16xf32>,
      %get3A_138 = arith.index_cast %scan3A_112 : i32 to index
      %get3A_139 = arith.constant 32 : index
      %get3A_140 = tpu.vector_load %arg5[%get3A_138, %get3A_139] {strides = array<i32>} : memref<512x64xf32, #tpu.memory_space<vmem>>, vector<1x16xf32>,
      %get3A_141 = vector.shape_cast %get3A_140 : vector<1x16xf32> to vector<16xf32>
      %mul3A_142 = arith.mulf %get3A_141, %div3A_118 : vector<16xf32>
      %swap3A_143 = arith.index_cast %scan3A_112 : i32 to index
      %swap3A_144 = arith.constant 32 : index
      %swap3A_145 = tpu.vector_load %arg5[%swap3A_143, %swap3A_144] {strides = array<i32>} : memref<512x64xf32, #tpu.memory_space<vmem>>, vector<1x16xf32>,
      %swap3A_146 = vector.shape_cast %swap3A_145 : vector<1x16xf32> to vector<16xf32>
      %swap3A_147 = vector.shape_cast %mul3A_142 : vector<16xf32> to vector<1x16xf32>
      tpu.vector_store %arg5[%swap3A_143, %swap3A_144], %swap3A_147 {strides = array<i32>} : memref<512x64xf32, #tpu.memory_space<vmem>>, vector<1x16xf32>,
      %get3A_148 = arith.index_cast %scan3A_112 : i32 to index
      %get3A_149 = arith.constant 48 : index
      %get3A_150 = tpu.vector_load %arg5[%get3A_148, %get3A_149] {strides = array<i32>} : memref<512x64xf32, #tpu.memory_space<vmem>>, vector<1x16xf32>,
      %get3A_151 = vector.shape_cast %get3A_150 : vector<1x16xf32> to vector<16xf32>
      %mul3A_152 = arith.mulf %get3A_151, %div3A_118 : vector<16xf32>
      %swap3A_153 = arith.index_cast %scan3A_112 : i32 to index
      %swap3A_154 = arith.constant 48 : index
      %swap3A_155 = tpu.vector_load %arg5[%swap3A_153, %swap3A_154] {strides = array<i32>} : memref<512x64xf32, #tpu.memory_space<vmem>>, vector<1x16xf32>,
      %swap3A_156 = vector.shape_cast %swap3A_155 : vector<1x16xf32> to vector<16xf32>
      %swap3A_157 = vector.shape_cast %mul3A_152 : vector<16xf32> to vector<1x16xf32>
      tpu.vector_store %arg5[%swap3A_153, %swap3A_154], %swap3A_157 {strides = array<i32>} : memref<512x64xf32, #tpu.memory_space<vmem>>, vector<1x16xf32>,
    }
    %scan3A_107 = arith.constant 128 : i32
    %mul3A_108 = arith.constant 640 : i32
    %mul3A_109 = arith.muli %arg1, %mul3A_108 : i32
    %add3A_110 = arith.constant 512 : i32
    %add3A_111 = arith.addi %mul3A_109, %add3A_110 : i32
    "tpu.region"() ({
      %run_scoped3A = tpu.sem_alloc : memref<!tpu.dma_semaphore, #tpu.memory_space<semaphore_mem>>
      %dma_start3A = arith.constant 0 : i32
      %dma_start3A_112 = arith.constant 0 : i32
      %dma_start3A_113 = tpu.memref_slice %arg5[%dma_start3A, %dma_start3A_112] : memref<512x64xf32, #tpu.memory_space<vmem>> -> memref<128x64xf32, #tpu.memory_space<vmem>>
      %dma_start3A_114 = arith.constant 0 : i32
      %dma_start3A_115 = tpu.memref_slice %arg4[%arg0, %add3A_111, %dma_start3A_114] : memref<2x10240x64xf32, #tpu.memory_space<hbm>> -> memref<1x128x64xf32, #tpu.memory_space<hbm>>
      %dma_start3A_116 = tpu.memref_squeeze %dma_start3A_115 : memref<1x128x64xf32, #tpu.memory_space<hbm>> -> memref<128x64xf32, #tpu.memory_space<hbm>>
      %dma_start3A_117 = arith.constant 0 : i32
      %dma_start3A_118 = tpu.memref_slice %arg4[%arg0, %add3A_111, %dma_start3A_117] : memref<2x10240x64xf32, #tpu.memory_space<hbm>> -> memref<1x128x64xf32, #tpu.memory_space<hbm>>
      %dma_start3A_119 = tpu.memref_squeeze %dma_start3A_118 : memref<1x128x64xf32, #tpu.memory_space<hbm>> -> memref<128x64xf32, #tpu.memory_space<hbm>>
      %dma_start3A_120 = arith.constant 0 : i32
      %dma_start3A_121 = arith.constant 0 : i32
      %dma_start3A_122 = tpu.memref_slice %arg5[%dma_start3A_120, %dma_start3A_121] : memref<512x64xf32, #tpu.memory_space<vmem>> -> memref<128x64xf32, #tpu.memory_space<vmem>>
      tpu.enqueue_dma source(%dma_start3A_122 : memref<128x64xf32, #tpu.memory_space<vmem>>) target(%dma_start3A_119 : memref<128x64xf32, #tpu.memory_space<hbm>>) target_semaphore(%run_scoped3A : memref<!tpu.dma_semaphore, #tpu.memory_space<semaphore_mem>>)
      %dma_wait3A = arith.constant 0 : i32
      %dma_wait3A_123 = arith.constant 0 : i32
      %dma_wait3A_124 = tpu.memref_slice %arg5[%dma_wait3A, %dma_wait3A_123] : memref<512x64xf32, #tpu.memory_space<vmem>> -> memref<128x64xf32, #tpu.memory_space<vmem>>
      %dma_wait3A_125 = arith.constant 0 : i32
      %dma_wait3A_126 = tpu.memref_slice %arg4[%arg0, %add3A_111, %dma_wait3A_125] : memref<2x10240x64xf32, #tpu.memory_space<hbm>> -> memref<1x128x64xf32, #tpu.memory_space<hbm>>
      %dma_wait3A_127 = tpu.memref_squeeze %dma_wait3A_126 : memref<1x128x64xf32, #tpu.memory_space<hbm>> -> memref<128x64xf32, #tpu.memory_space<hbm>>
      %dma_wait3A_128 = arith.constant 0 : i32
      %dma_wait3A_129 = tpu.memref_slice %arg4[%arg0, %add3A_111, %dma_wait3A_128] : memref<2x10240x64xf32, #tpu.memory_space<hbm>> -> memref<1x128x64xf32, #tpu.memory_space<hbm>>
      %dma_wait3A_130 = tpu.memref_squeeze %dma_wait3A_129 : memref<1x128x64xf32, #tpu.memory_space<hbm>> -> memref<128x64xf32, #tpu.memory_space<hbm>>
      %dma_wait3A_131 = arith.constant 0 : i32
      %dma_wait3A_132 = arith.constant 0 : i32
      %dma_wait3A_133 = tpu.memref_slice %arg5[%dma_wait3A_131, %dma_wait3A_132] : memref<512x64xf32, #tpu.memory_space<vmem>> -> memref<128x64xf32, #tpu.memory_space<vmem>>
      tpu.wait_dma2 semaphore(%run_scoped3A : memref<!tpu.dma_semaphore, #tpu.memory_space<semaphore_mem>>) src(%dma_wait3A_133 : memref<128x64xf32, #tpu.memory_space<vmem>>) dst(%dma_wait3A_130 : memref<128x64xf32, #tpu.memory_space<hbm>>)
      tpu.yield
    }) : () -> ()
    return
  }
}

</mosaic_0001>

<sc_bundles>
// kernel: kernel.3.cloned.1.call-start
scs
__scs_entry_jumppad:
0x0: {  	(pc) =	sbr.rel $0x88, $3  }
0x1: {  	(tag) =	ssettag $0x0;
	lr =	simm.s32 $0x1  }
0x2: {  	[smem:$0x3F9F] =	sst lr;
	_ =	strace $0xD0000000  }
0x3: {  	_ = 	snop  }
0x4: {  	_ = 	snop  }
0x5: {  	_ = 	snop  }
0x6: {  	_ = 	snop  }
0x7: {  	_ = 	snop  }
__scs_overlays_trampoline_lowered:
0x8: {  	[smem:$0x3FAE] =	sst s0  }
0x9: {  	[smem:$0x3FAF] =	sst s1  }
0xa: {  	[smem:$0x3FB0] =	sst s2  }
0xb: {  	[smem:$0x3FB1] =	sst s3  }
0xc: {  	[smem:$0x3FB2] =	sst s4  }
0xd: {  	[smem:$0x3FB3] =	sst s5  }
0xe: {  	[smem:$0x3FB4] =	sst s6  }
0xf: {  	[smem:$0x3FB5] =	sst s7  }
0x10: {  	[smem:$0x3FB6] =	sst s8  }
0x11: {  	[smem:$0x3FB7] =	sst s9;
	s0 =	simm.s32 @!p0 $0x0  }
0x12: {  	s1 =	sld [smem:$0x3F9D];
	s0 =	simm.s32 @p0 $0x1  }
0x13: {  	[smem:$0x3FB8] =	sst s0;
	s0 =	simm.s32 @!p1 $0x0  }
0x14: {  	s2 =	sld [smem:$0x3F9C];
	s0 =	simm.s32 @p1 $0x1  }
0x15: {  	[smem:$0x3FB9] =	sst s0;
	s0 =	simm.s32 @!p2 $0x0  }
0x16: {  	s3 =	sld [smem:$0x3FDB];
	s0 =	simm.s32 @p2 $0x1  }
0x17: {  	s4 =	simm.s32 $0x1BF5;
	[smem:$0x3FBB] =	sst s0  }
0x18: {  	s0 =	sld [smem:$0x3F9E];
	_ =	swait.ge [sflag:s4], $0x0  }
0x19: {  	s7 =	sld [smem:$0x3F9F]  }
0x1a: {  	s8 =	sadd.s32 $0xFFFFE003, lr  }
0x1b: {  	s9 =	sadd.s32 $0xFFFFFEF7, lr;
	s5 =	simm.s32 $0xFFFFFFFF;
	p2 =	slt.u32 s8, $0xFFFFF086  }
0x1c: {  	p1 =	slt.u32 s9, $0xF7A;
	s5 =	simm.s32 @!p2 $0x0  }
0x1d: {  	s5 =	simm.s32 @p1 $0x1;
	p0 =	seq.s32 s7, s2  }
0x1e: {  	s7 =	smul.u32 @!p0 $0xF7A, s2;
	p2 =	seq.s32 @!p0 s5, $0x0  }
0x1f: {  	s9 =	smul.u32 $0xF7A, s1;
	s8 =	simm.s32 @!p0 $0x1BF5;
	p2 =	por !p2, p0  }
0x20: {  	[sflag:s8] =	ssyncset.s32 @!p0 $0xFFFFF086;
	s6 =	sadd.s32 @!p0 s3, s7;
	s7 =	simm.s32 @!p0 $0x108  }
0x21: {  	s3 =	sadd.s32 s3, s9;
	s6 =	sadd.s32 @!p0 $0x88, s6;
	s7 =	simm.s32 @p2 $0x1082  }
0x22: {  	[simem:s7], [sflag:s8] =	dma.local @!p0 [hbm:s6], $0xF7A  }
0x23: {  	s9 =	sor.u32 $0xD0000000, s2;
	s6 =	simm.s32 $0x108;
	_ =	swait.ge @!p0 [sflag:s8], $0x0  }
0x24: {  	s3 =	sadd.s32 $0x88, s3;
	s6 =	simm.s32 @!p1 $0x1082;
	[sflag:s4] =	ssyncset.s32 $0xFFFFF086  }
0x25: {  	[simem:s6], [sflag:s4] =	dma.local [hbm:s3], $0xF7A  }
0x26: {  	[smem:$0x3F9F] =	sst s1;
	(tag) =	ssettag s2;
	_ =	strace s9  }
0x27: {  	s1 =	sld [smem:$0x3FAF]  }
0x28: {  	s2 =	sld [smem:$0x3FB0]  }
0x29: {  	s4 =	sld [smem:$0x3FB2]  }
0x2a: {  	p0 =	seq.s32 s5, $0x0;
	s5 =	sld [smem:$0x3FB3]  }
0x2b: {  	s6 =	sld [smem:$0x3FB4]  }
0x2c: {  	s7 =	sld [smem:$0x3FB5]  }
0x2d: {  	s3 =	simm.s32 $0x108;
	s8 =	sld [smem:$0x3FB6]  }
0x2e: {  	s3 =	simm.s32 @!p0 $0x1082;
	s9 =	sld [smem:$0x3FB7]  }
0x2f: {  	lr =	sadd.s32 s0, s3;
	s0 =	sld [smem:$0x3FAE]  }
0x30: {  	s3 =	sld [smem:$0x3FB1]  }
0x31: {  	[smem:$0x3FBA] =	sst s10  }
0x32: {  	s10 =	sld [smem:$0x3FB8];
	_ =	sdelay $0x3  }
0x33: {  	p0 =	seq.s32 s10, $0x1;
	s10 =	sld [smem:$0x3FBA];
	_ =	sdelay $0x3  }
0x34: {  	[smem:$0x3FBA] =	sst s10  }
0x35: {  	s10 =	sld [smem:$0x3FB9];
	_ =	sdelay $0x3  }
0x36: {  	p1 =	seq.s32 s10, $0x1;
	s10 =	sld [smem:$0x3FBA];
	_ =	sdelay $0x3  }
0x37: {  	[smem:$0x3FBA] =	sst s10  }
0x38: {  	s10 =	sld [smem:$0x3FBB]  }
0x39: {  	_ = 	snop;
	(pc) =	sbr.ind lr, $3  }
0x3a: {  	_ = 	snop  }
0x3b: {  	_ = 	snop  }
0x3c: {  	p2 =	seq.s32 s10, $0x1;
	s10 =	sld [smem:$0x3FBA]  }
0x3d: {  	_ =	shalt  }
0x3e: {  	_ =	shalt  }
0x3f: {  	_ =	shalt  }
0x40: {  	_ =	shalt  }
0x41: {  	_ =	shalt  }
0x42: {  	_ =	shalt  }
0x43: {  	_ =	shalt  }
0x44: {  	_ =	shalt  }
0x45: {  	_ =	shalt  }
0x46: {  	_ =	shalt  }
0x47: {  	_ =	shalt  }
0x48: {  	_ =	shalt  }
0x49: {  	_ =	shalt  }
0x4a: {  	_ =	shalt  }
0x4b: {  	_ =	shalt  }
0x4c: {  	_ =	shalt  }
0x4d: {  	_ =	shalt  }
0x4e: {  	_ =	shalt  }
0x4f: {  	_ =	shalt  }
0x50: {  	_ =	shalt  }
0x51: {  	_ =	shalt  }
0x52: {  	_ =	shalt  }
0x53: {  	_ =	shalt  }
0x54: {  	_ =	shalt  }
0x55: {  	_ =	shalt  }
0x56: {  	_ =	shalt  }
0x57: {  	_ =	shalt  }
0x58: {  	_ =	shalt  }
0x59: {  	_ =	shalt  }
0x5a: {  	_ =	shalt  }
0x5b: {  	_ =	shalt  }
0x5c: {  	_ =	shalt  }
0x5d: {  	_ =	shalt  }
0x5e: {  	_ =	shalt  }
0x5f: {  	_ =	shalt  }
0x60: {  	_ =	shalt  }
0x61: {  	_ =	shalt  }
0x62: {  	_ =	shalt  }
0x63: {  	_ =	shalt  }
0x64: {  	_ =	shalt  }
0x65: {  	_ =	shalt  }
0x66: {  	_ =	shalt  }
0x67: {  	_ =	shalt  }
0x68: {  	_ =	shalt  }
0x69: {  	_ =	shalt  }
0x6a: {  	_ =	shalt  }
0x6b: {  	_ =	shalt  }
0x6c: {  	_ =	shalt  }
0x6d: {  	_ =	shalt  }
0x6e: {  	_ =	shalt  }
0x6f: {  	_ =	shalt  }
0x70: {  	_ =	shalt  }
0x71: {  	_ =	shalt  }
0x72: {  	_ =	shalt  }
0x73: {  	_ =	shalt  }
0x74: {  	_ =	shalt  }
0x75: {  	_ =	shalt  }
0x76: {  	_ =	shalt  }
0x77: {  	_ =	shalt  }
0x78: {  	_ =	shalt  }
0x79: {  	_ =	shalt  }
0x7a: {  	_ =	shalt  }
0x7b: {  	_ =	shalt  }
0x7c: {  	_ =	shalt  }
0x7d: {  	_ =	shalt  }
0x7e: {  	_ =	shalt  }
0x7f: {  	_ =	shalt  }
0x80: {  	_ =	shalt  }
0x81: {  	_ =	shalt  }
0x82: {  	_ =	shalt  }
0x83: {  	_ =	shalt  }
0x84: {  	_ =	shalt  }
0x85: {  	_ =	shalt  }
0x86: {  	_ =	shalt  }
0x87: {  	_ =	shalt  }
.Lfunc_end0:
.L_simem_size_0:
called_computation_lowered:
.L_overlay_start_0:
0x88: {  	s2 =	sld [smem:$0x3FD9]  }
0x89: {  	s3 =	sld [smem:$0x3FFE];
	_ =	sdelay $0x1  }
0x8a: {  	s1 =	srdreg.scid  }
0x8b: {  	s0 =	sand.u32 $0x1, s1  }
0x8c: {  	s17 =	sshll.u32 s0, $0xA;
	s2 =	sadd.s32 s3, s2  }
0x8d: {  	s2 =	sadd.s32 s2, s17  }
0x8e: {  	[smem:$0x3FC6] =	sst s2  }
0x8f: {  	_ = 	snop  }
0x90: {  	s2 =	sld [smem:$0x3FC9]  }
0x91: {  	s18 =	sld [smem:$0x3FC8];
	(tm) =	ssettm $0x1  }
0x92: {  	s4 =	sld [smem:$0x3FFB];
	_ =	sdelay $0x3  }
0x93: {  	_ =	strace s4  }
0x94: {  	s4 =	sld [smem:$0x3FFC];
	_ =	sdelay $0x3  }
0x95: {  	_ =	strace s4  }
0x96: {  	s4 =	sld [smem:$0x3FFD];
	_ =	sdelay $0x3  }
0x97: {  	_ =	strace s4  }
0x98: {  	_ =	strace $0x8FFFFFFF  }
0x99: {  	s19 =	sld [smem:$0x3FDB];
	_ =	sdelay $0x1  }
0x9a: {  	s5 =	simm.s32 $_scs_section_size  }
0x9b: {  	s6 =	simm.s32 $_size__tile_overlayer_lowered;
	s7 =	simm.s32 $_tile_overlayer_lowered  }
0x9c: {  	s22 =	simm.s32 $0x1BFF;
	s21 =	sshll.u32 s7, $0x1;
	s4 =	sadd.s32 s5, s19  }
0x9d: {  	s8 =	simm.s32 $0x0;
	s20 =	sshll.u32 s6, $0x1;
	s6 =	sadd.s32 s21, s4  }
0x9e: {  	[timem:s8], [sflag:s22] =	dma.local [hbm:s6], s20  }
0x9f: {  	_ =	swait.ge [sflag:s22], s20  }
0xa0: {  	s5 =	ssub.s32 $0x0, s20;
	[sflag:s22] =	ssyncset.done $0x0  }
0xa1: {  	[sflag:s22] =	ssyncadd.s32 s5;
	_ =	sdelay $0x1  }
0xa2: {  	s23 =	simm.s32 $0x1B8B  }
0xa3: {  	_ =	swait.ge [sflag:s23], $0x1  }
0xa4: {  	[sflag:s23] =	ssyncset.done $0x0  }
0xa5: {  	s25 =	simm.s32 $0x1B8E;
	s24 =	sld [smem:$0x3FFE];
	[sflag:s23] =	ssyncadd.s32 $0xFFFFFFFF  }
0xa6: {  	s26 =	simm.s32 $execute0_lowered;
	[smem:$0x3FD2] =	sst s25  }
0xa7: {  	s6 =	sshll.u32 s26, $0x1;
	_ =	strace $0x80000046;
	[dreg:$0x1] =	wrdreg $0xFFFFFFFF  }
0xa8: {  	s28 =	simm.s32 $_size_execute0_lowered;
	s4 =	sadd.s32 s4, s6;
	[dreg:$0x0] =	wrdreg $0x0  }
0xa9: {  	s6 =	sshll.u32 s28, $0x1;
	[dreg:$0x2] =	wrdreg s4  }
0xaa: {  	[dreg:$0x3] =	wrdreg s6  }
0xab: {  	[dreg:$0x4] =	wrdreg $0xC0  }
0xac: {  	_ =	task [dreg:s8], $0x5FFFF  }
0xad: {  	[dreg:$0x1] =	wrdreg $0xFFFFFFFF  }
0xae: {  	[dreg:$0x0] =	wrdreg $0x60  }
0xaf: {  	[dreg:$0x2] =	wrdreg s2  }
0xb0: {  	[dreg:$0x3] =	wrdreg s18  }
0xb1: {  	[dreg:$0x4] =	wrdreg s24  }
0xb2: {  	[dreg:$0x5] =	wrdreg $0x134000  }
0xb3: {  	[dreg:$0x6] =	wrdreg $0x1D4000  }
0xb4: {  	[dreg:$0x7] =	wrdreg $0x9  }
0xb5: {  	_ =	task.clear_ibuf [dreg:s8], $0x8FFFF;
	_ =	strace $0x90000046  }
0xb6: {  	s29 =	simm.s32 $0x9;
	_ =	strace $0x80000048  }
0xb7: {  	_ =	swait.ge [sflag:s29], $0x1  }
0xb8: {  	[sflag:s29] =	ssyncadd.s32 $0xFFFFFFFF  }
0xb9: {  	_ =	strace $0x90000048  }
0xba: {  	_ =	sfence  }
0xbb: {  	s30 =	sld [smem:$0x0];
	_ =	sdelay $0x2  }
0xbc: {  	s31 =	sshll.u32 s1, $0xD;
	s1 =	sshrl.u32 s1, $0x2  }
0xbd: {  	s3 =	sand.u32 $0x4000, s31;
	s1 =	sadd.s32 s1, s30  }
0xbe: {  	s0 =	sor.u32 s3, s0;
	s1 =	sshll.u32 s1, $0x11  }
0xbf: {  	s0 =	sor.u32 s1, s0  }
0xc0: {  	s0 =	sadd.s32 $0x8F2B, s0  }
0xc1: {  	[sflag:s0] =	ssyncadd.remote.s32 $0x1  }
0xc2: {  	_ =	sfence.sel $0xFFFF  }
0xc3: {  	[dreg:$0x0] =	wrdreg $0xFFFFFFFF;
	(pc) =	sbr.abs _section_cstart, $3  }
0xc4: {  	[dreg:$0x1] =	wrdreg $0xFFFFFFFF  }
0xc5: {  	_ =	task.clear_ibuf [dreg:s8], $0x2FFFF;
	_ =	strace $0x9FFFFFFF  }
0xc6: {  	(tm) =	ssettm $0x7FFFFFFF  }
0xc7: {  	_ =	shalt  }
tec
execute0_lowered:
.L_overlay_start_1:
0x0: {  	(tag) =	ssettag $0x1  }
0x1: {  	s1 =	rddreg [dreg:$0x0]  }
0x2: {  	s12 =	rddreg [dreg:$0x1]  }
0x3: {  	s6 =	rddreg [dreg:$0x2]  }
0x4: {  	s2 =	rddreg [dreg:$0x3]  }
0x5: {  	s3 =	rddreg [dreg:$0x4]  }
0x6: {  	s4 =	srdreg.scid;
	s5 =	simm.s32 $0x0;
	s0 =	stileid.u32  }
0x7: {  	s20 =	simm.s32 $0x10C00;
	s21 =	simm.s32 $0x0;
	s9 =	sand.u32 $0x1, s4  }
0x8: {  	[smem:$0x7FF] =	sst s5;
	s10 =	smul.u32 $0x271, s0;
	s14 =	sadd.s32 $0x600, s6  }
0x9: {  	s13 =	smul.u32 $0xA000, s0;
	s7 =	ssub.s32 $0x2, s9;
	_ =	strace $0x80000047  }
0xa: {  	s28 =	sshll.u32 s9, $0x6;
	s18 =	smul.u32 $0xA0000, s9;
	s8 =	sshrl.u32 s7, $0x1  }
0xb: {  	s6 =	sshrl.u32 s10, $0x4;
	s26 =	sadd.s32 $0x271, s10;
	s16 =	sadd.s32 $0x8000, s13  }
0xc: {  	s29 =	sshrl.u32 s13, $0x2;
	s15 =	ssub.s32 s7, s8;
	s7 =	sshrl.u32 s26, $0x4  }
0xd: {  	s11 =	sshll.u32 s6, $0x10;
	s8 =	sadd.s32 s13, s2;
	s9 =	sadd.s32 s16, s2  }
0xe: {  	s10 =	sadd.s32 s29, s3;
	s19 =	sshll.u32 s6, $0x6;
	s13 =	sadd.s32 s13, s18  }
0xf: {  	s16 =	sadd.s32 s18, s16;
	s17 =	sor.u32 s28, s11;
	s12 =	sadd.s32 s12, s19  }
0x10: {  	s13 =	sshrl.u32 s13, $0x3;
	s16 =	sshrl.u32 s16, $0x3;
	s15 =	smax.u32 s15, $0x1  }
0x11: {  	p0 =	sge.u32 s6, s7;
	s19 =	simm.s32 $0x4;
	s11 =	sshrl.u32 s17, $0x3  }
0x12: {  	s13 =	sadd.s32 s14, s13;
	s14 =	sadd.s32 s14, s16;
	s31 =	sadd.s32 $0x10000, s17  }
0x13: {  	s16 =	sadd.s32 $0x20000, s17;
	s30 =	sadd.s32 s1, s11;
	s18 =	sshrl.u32 s31, $0x3  }
0x14: {  	v0 =	vimm.f32 $0.0e+00;
	v1 =	vimm.f32 $1.000000000e+00;
	s17 =	sadd.s32 $0x80, s12;
	[dreg:$0x6] =	wrdreg s30;
	s18 =	sadd.s32 s18, s1  }
.LBB2_1:
0x15: {  	s23 =	simm.s32 $0x100;
	s22 =	simm.s32 $0x0  }
.LBB2_2:
0x16: {  	p1 =	sne.s32 s23, $0x1FF00;
	[tilespmem:s22+$0x30] =	vst v0;
	s24 =	smov.u32 s23;
	s23 =	sadd.s32 $0x100, s23  }
.Ltmp0:
0x17: {  	[tilespmem:s22+$0x20] =	vst v0;
	(pc) =	sbr.rel @p1 .LBB2_2-.Ltmp0, $3  }
0x18: {  	[tilespmem:s22+$0x0] =	vst v0  }
0x19: {  	[tilespmem:s22+$0x10] =	vst v0;
	_ =	sdelay $0x1  }
0x1a: {  	s22 =	sshra.s32 s24, $0x2  }
0x1b: {  	[tilespmem:s22+$0x30] =	vst v0  }
0x1c: {  	[tilespmem:s22+$0x20] =	vst v0  }
0x1d: {  	[tilespmem:s22+$0x0] =	vst v0  }
0x1e: {  	[tilespmem:s22+$0x10] =	vst v0;
	s22 =	simm.s32 $0x40;
	s23 =	simm.s32 $0x0  }
.LBB2_4:
0x1f: {  	p1 =	sne.s32 s22, $0x9FC0;
	[tilespmem:s23+$0x10C00] =	vst v0;
	s23 =	smov.u32 s22;
	s22 =	sadd.s32 $0x40, s22  }
.Ltmp1:
0x20: {  	(pc) =	sbr.rel @p1 .LBB2_4-.Ltmp1, $2  }
0x21: {  	_ =	sdelay $0x2  }
0x22: {  	s23 =	sshra.s32 s23, $0x2  }
0x23: {  	[tilespmem:s23+$0x10C00] =	vst v0;
	s22 =	simm.s32 $0x40;
	s23 =	simm.s32 $0x0  }
.LBB2_6:
0x24: {  	p1 =	sne.s32 s22, $0x1FC0;
	[tilespmem:s23+$0x10400] =	vst v1;
	s23 =	smov.u32 s22;
	s22 =	sadd.s32 $0x40, s22  }
.Ltmp2:
0x25: {  	(pc) =	sbr.rel @p1 .LBB2_6-.Ltmp2, $2  }
0x26: {  	_ =	sdelay $0x2  }
0x27: {  	s23 =	sshra.s32 s23, $0x2  }
0x28: {  	[tilespmem:s23+$0x10400] =	vst v1  }
0x29: {  	[spmem:s8] =	stream.linear.scatter [tilespmem:s5], [sflag:$0x4], $0x8000, $0x38;
	[tilespmem:$0x1FC00] =	vst v63  }
0x2a: {  	_ =	swait.ge [sflag:s19], $0x8000  }
0x2b: {  	[sflag:s19] =	ssyncset.done $0x0  }
0x2c: {  	[sflag:s19] =	ssyncadd.s32 $0xFFFF8000  }
0x2d: {  	[spmem:s9] =	stream.linear.scatter [tilespmem:s5], [sflag:$0x4], $0x2000, $0x38;
	[tilespmem:$0x1FC00] =	vst v63  }
0x2e: {  	_ =	swait.ge [sflag:s19], $0x2000  }
0x2f: {  	[sflag:s19] =	ssyncset.done $0x0  }
0x30: {  	[sflag:s19] =	ssyncadd.s32 $0xFFFFE000  }
0x31: {  	[spmem:s10] =	stream.linear.scatter [tilespmem:s20], [sflag:$0x4], $0x2800, $0x38;
	[tilespmem:$0x1FC00] =	vst v63  }
0x32: {  	_ =	swait.ge [sflag:s19], $0x2800  }
0x33: {  	[sflag:s19] =	ssyncset.done $0x0  }
0x34: {  	s22 =	simm.s32 @!p0 $0x40;
	[sflag:s19] =	ssyncadd.s32 $0xFFFFD800  }
0x35: {  	s23 =	simm.s32 @!p0 $0x80;
	s31 =	sadd.s32 $0x0, s6;
	[bflag:$0x0] =	sbarrier.arrive $0xFFFF  }
0x36: {  	s24 =	simm.s32 @!p0 $0x0;
	p1 =	sge.u32 s31, s7;
	s0 =	rddreg [dreg:$0x6]  }
0x37: {  	[tilespmem:s24], [sflag:$0x1] =	stream.strided.gather @!p0 [hbm4b:s0+s22], $0x8000, s23, s22, $0x38;
	[tilespmem:$0x1FC00] =	vst v63  }
0x38: {  	s22 =	simm.s32 @!p0 $0x10000;
	s23 =	simm.s32 @!p1 $0x1  }
0x39: {  	[tilespmem:s22], [sflag:$0x1] =	stream.linear.gather @!p0 [hbm4b:s12+s24], $0x200, $0x38;
	[tilespmem:$0x1FC00] =	vst v63  }
0x3a: {  	_ =	swait.ge @!p1 [sflag:s23], $0x8000  }
0x3b: {  	[sflag:s23] =	ssyncset.done @!p1 $0x0  }
0x3c: {  	[sflag:s23] =	ssyncadd.s32 @!p1 $0xFFFF8000  }
0x3d: {  	_ =	swait.ge @!p1 [sflag:s23], $0x200  }
0x3e: {  	s25 =	simm.s32 @!p1 $0x10000;
	[sflag:s23] =	ssyncset.done @!p1 $0x0  }
0x3f: {  	s24 =	simm.s32 @!p1 $0x0;
	[sflag:s23] =	ssyncadd.s32 @!p1 $0xFFFFFE00;
	s23 =	simm.s32 @!p1 $0x80  }
0x40: {  	[spmem:s2] =	stream.indirect.scatter.add.f32 @!p1 [tilespmem:s24], [sflag:$0x3], $0x40, s25, s23, $0xb8;
	[tilespmem:$0x1FC00] =	vst v63  }
0x41: {  	s24 =	simm.s32 @!p1 $0x10400  }
0x42: {  	[spmem:s3] =	stream.indirect.scatter.add.f32 @!p1 [tilespmem:s24], [sflag:$0x3], $0x10, s25, s23, $0xb8;
	[tilespmem:$0x1FC00] =	vst v63  }
0x43: {  	s26 =	simm.s32 @!p1 $0x2000;
	s25 =	simm.s32 @!p1 $0x10080  }
0x44: {  	[spmem:s2] =	stream.indirect.scatter.add.f32 @!p1 [tilespmem:s26], [sflag:$0x3], $0x40, s25, s23, $0xb8;
	[tilespmem:$0x1FC00] =	vst v63  }
0x45: {  	_ = 	snop  }
0x46: {  	[spmem:s3] =	stream.indirect.scatter.add.f32 @!p1 [tilespmem:s24], [sflag:$0x3], $0x10, s25, s23, $0xb8;
	[tilespmem:$0x1FC00] =	vst v63  }
0x47: {  	s28 =	simm.s32 @!p1 $0x4000;
	s26 =	simm.s32 @!p1 $0x10100;
	s25 =	sadd.s32 @!p1 $0x0, s6  }
0x48: {  	[spmem:s2] =	stream.indirect.scatter.add.f32 @!p1 [tilespmem:s28], [sflag:$0x3], $0x40, s26, s23, $0xb8;
	[tilespmem:$0x1FC00] =	vst v63  }
0x49: {  	s25 =	sadd.s32 @!p1 $0x1, s25  }
0x4a: {  	[spmem:s3] =	stream.indirect.scatter.add.f32 @!p1 [tilespmem:s24], [sflag:$0x3], $0x10, s26, s23, $0xb8;
	[tilespmem:$0x1FC00] =	vst v63  }
0x4b: {  	p2 =	sge.u32 @!p1 s25, s7;
	s25 =	simm.s32 @!p1 $0x10180;
	s26 =	simm.s32 @!p1 $0x6000  }
0x4c: {  	[spmem:s2] =	stream.indirect.scatter.add.f32 @!p1 [tilespmem:s26], [sflag:$0x3], $0x40, s25, s23, $0xb8;
	[tilespmem:$0x1FC00] =	vst v63  }
0x4d: {  	p2 =	por p2, p1;
	s26 =	simm.s32 @!p1 $0x3  }
0x4e: {  	[spmem:s3] =	stream.indirect.scatter.add.f32 @!p1 [tilespmem:s24], [sflag:$0x3], $0x10, s25, s23, $0xb8;
	[tilespmem:$0x1FC00] =	vst v63  }
0x4f: {  	s23 =	simm.s32 @!p2 $0x40;
	s24 =	simm.s32 @!p2 $0x80;
	s25 =	simm.s32 @!p2 $0x8000  }
0x50: {  	[tilespmem:s25], [sflag:$0x2] =	stream.strided.gather @!p2 [hbm4b:s18+s23], $0x8000, s24, s23, $0x38;
	[tilespmem:$0x1FC00] =	vst v63  }
0x51: {  	s23 =	sadd.s32 @!p2 $0xFFFFFFC0, s17;
	s24 =	simm.s32 @!p2 $0x0;
	s25 =	simm.s32 @!p2 $0x10200  }
0x52: {  	[tilespmem:s25], [sflag:$0x2] =	stream.linear.gather @!p2 [hbm4b:s23+s24], $0x200, $0x38;
	[tilespmem:$0x1FC00] =	vst v63  }
0x53: {  	_ =	swait.ge @!p1 [sflag:s26], $0x2000  }
0x54: {  	[sflag:s26] =	ssyncset.done @!p1 $0x0  }
0x55: {  	[sflag:s26] =	ssyncadd.s32 @!p1 $0xFFFFE000  }
0x56: {  	_ =	swait.ge @!p1 [sflag:s26], $0x800  }
0x57: {  	[sflag:s26] =	ssyncset.done @!p1 $0x0  }
0x58: {  	[sflag:s26] =	ssyncadd.s32 @!p1 $0xFFFFF800  }
0x59: {  	_ =	swait.ge @!p1 [sflag:s26], $0x2000  }
0x5a: {  	[sflag:s26] =	ssyncset.done @!p1 $0x0  }
0x5b: {  	[sflag:s26] =	ssyncadd.s32 @!p1 $0xFFFFE000  }
0x5c: {  	_ =	swait.ge @!p1 [sflag:s26], $0x800  }
0x5d: {  	[sflag:s26] =	ssyncset.done @!p1 $0x0  }
0x5e: {  	[sflag:s26] =	ssyncadd.s32 @!p1 $0xFFFFF800  }
0x5f: {  	_ =	swait.ge @!p1 [sflag:s26], $0x2000  }
0x60: {  	[sflag:s26] =	ssyncset.done @!p1 $0x0  }
0x61: {  	[sflag:s26] =	ssyncadd.s32 @!p1 $0xFFFFE000  }
0x62: {  	_ =	swait.ge @!p1 [sflag:s26], $0x800  }
0x63: {  	[sflag:s26] =	ssyncset.done @!p1 $0x0  }
0x64: {  	[sflag:s26] =	ssyncadd.s32 @!p1 $0xFFFFF800  }
0x65: {  	_ =	swait.ge @!p1 [sflag:s26], $0x2000  }
0x66: {  	[sflag:s26] =	ssyncset.done @!p1 $0x0  }
0x67: {  	[sflag:s26] =	ssyncadd.s32 @!p1 $0xFFFFE000  }
0x68: {  	s22 =	sadd.s32 $0x1, s31;
	_ =	swait.ge @!p1 [sflag:s26], $0x800  }
0x69: {  	p2 =	sge.u32 s22, s7;
	[sflag:s26] =	ssyncset.done @!p1 $0x0  }
0x6a: {  	s22 =	simm.s32 @!p2 $0x2;
	[sflag:s26] =	ssyncadd.s32 @!p1 $0xFFFFF800  }
0x6b: {  	_ =	swait.ge @!p2 [sflag:s22], $0x8000  }
0x6c: {  	[sflag:s22] =	ssyncset.done @!p2 $0x0  }
0x6d: {  	[sflag:s22] =	ssyncadd.s32 @!p2 $0xFFFF8000  }
0x6e: {  	_ =	swait.ge @!p2 [sflag:s22], $0x200  }
0x6f: {  	s23 =	simm.s32 @!p2 $0x8000;
	[sflag:s22] =	ssyncset.done @!p2 $0x0  }
0x70: {  	s24 =	simm.s32 @!p2 $0x10200;
	[sflag:s22] =	ssyncadd.s32 @!p2 $0xFFFFFE00;
	s22 =	simm.s32 @!p2 $0x80  }
0x71: {  	[spmem:s2] =	stream.indirect.scatter.add.f32 @!p2 [tilespmem:s23], [sflag:$0x3], $0x40, s24, s22, $0xb8;
	[tilespmem:$0x1FC00] =	vst v63  }
0x72: {  	s23 =	simm.s32 @!p2 $0x10400  }
0x73: {  	[spmem:s3] =	stream.indirect.scatter.add.f32 @!p2 [tilespmem:s23], [sflag:$0x3], $0x10, s24, s22, $0xb8;
	[tilespmem:$0x1FC00] =	vst v63  }
0x74: {  	s25 =	simm.s32 @!p2 $0xA000;
	s24 =	simm.s32 @!p2 $0x10280  }
0x75: {  	[spmem:s2] =	stream.indirect.scatter.add.f32 @!p2 [tilespmem:s25], [sflag:$0x3], $0x40, s24, s22, $0xb8;
	[tilespmem:$0x1FC00] =	vst v63  }
0x76: {  	_ = 	snop  }
0x77: {  	[spmem:s3] =	stream.indirect.scatter.add.f32 @!p2 [tilespmem:s23], [sflag:$0x3], $0x10, s24, s22, $0xb8;
	[tilespmem:$0x1FC00] =	vst v63  }
0x78: {  	s24 =	sadd.s32 @!p2 $0x0, s6  }
0x79: {  	s26 =	simm.s32 @!p2 $0xC000;
	s25 =	simm.s32 @!p2 $0x10300;
	s24 =	sadd.s32 @!p2 $0x2, s24  }
0x7a: {  	[spmem:s2] =	stream.indirect.scatter.add.f32 @!p2 [tilespmem:s26], [sflag:$0x3], $0x40, s25, s22, $0xb8;
	[tilespmem:$0x1FC00] =	vst v63  }
0x7b: {  	p1 =	sge.u32 @!p2 s24, s7  }
0x7c: {  	[spmem:s3] =	stream.indirect.scatter.add.f32 @!p2 [tilespmem:s23], [sflag:$0x3], $0x10, s25, s22, $0xb8;
	[tilespmem:$0x1FC00] =	vst v63  }
0x7d: {  	s24 =	simm.s32 @!p2 $0x10380;
	p1 =	por p1, p2;
	s25 =	simm.s32 @!p2 $0xE000  }
0x7e: {  	[spmem:s2] =	stream.indirect.scatter.add.f32 @!p2 [tilespmem:s25], [sflag:$0x3], $0x40, s24, s22, $0xb8;
	[tilespmem:$0x1FC00] =	vst v63  }
0x7f: {  	s26 =	simm.s32 @!p1 $0x0;
	s25 =	sshrl.u32 @!p1 s16, $0x3  }
0x80: {  	[spmem:s3] =	stream.indirect.scatter.add.f32 @!p2 [tilespmem:s23], [sflag:$0x3], $0x10, s24, s22, $0xb8;
	[tilespmem:$0x1FC00] =	vst v63  }
0x81: {  	s22 =	sadd.s32 @!p1 s1, s25;
	s23 =	simm.s32 @!p1 $0x40;
	s24 =	simm.s32 @!p1 $0x80  }
0x82: {  	[tilespmem:s26], [sflag:$0x1] =	stream.strided.gather @!p1 [hbm4b:s22+s23], $0x8000, s24, s23, $0x38;
	[tilespmem:$0x1FC00] =	vst v63  }
0x83: {  	s30 =	simm.s32 @!p2 $0x3;
	s22 =	simm.s32 @!p1 $0x10000  }
0x84: {  	[tilespmem:s22], [sflag:$0x1] =	stream.linear.gather @!p1 [hbm4b:s17+s26], $0x200, $0x38;
	[tilespmem:$0x1FC00] =	vst v63  }
0x85: {  	_ =	swait.ge @!p2 [sflag:s30], $0x2000  }
0x86: {  	[sflag:s30] =	ssyncset.done @!p2 $0x0  }
0x87: {  	[sflag:s30] =	ssyncadd.s32 @!p2 $0xFFFFE000  }
0x88: {  	_ =	swait.ge @!p2 [sflag:s30], $0x800  }
0x89: {  	[sflag:s30] =	ssyncset.done @!p2 $0x0  }
0x8a: {  	[sflag:s30] =	ssyncadd.s32 @!p2 $0xFFFFF800  }
0x8b: {  	_ =	swait.ge @!p2 [sflag:s30], $0x2000  }
0x8c: {  	[sflag:s30] =	ssyncset.done @!p2 $0x0  }
0x8d: {  	[sflag:s30] =	ssyncadd.s32 @!p2 $0xFFFFE000  }
0x8e: {  	_ =	swait.ge @!p2 [sflag:s30], $0x800  }
0x8f: {  	[sflag:s30] =	ssyncset.done @!p2 $0x0  }
0x90: {  	[sflag:s30] =	ssyncadd.s32 @!p2 $0xFFFFF800  }
0x91: {  	_ =	swait.ge @!p2 [sflag:s30], $0x2000  }
0x92: {  	[sflag:s30] =	ssyncset.done @!p2 $0x0  }
0x93: {  	[sflag:s30] =	ssyncadd.s32 @!p2 $0xFFFFE000  }
0x94: {  	_ =	swait.ge @!p2 [sflag:s30], $0x800  }
0x95: {  	[sflag:s30] =	ssyncset.done @!p2 $0x0  }
0x96: {  	[sflag:s30] =	ssyncadd.s32 @!p2 $0xFFFFF800  }
0x97: {  	_ =	swait.ge @!p2 [sflag:s30], $0x2000  }
0x98: {  	s28 =	sadd.s32 $0x2, s6;
	s25 =	sadd.s32 $0x4000, s18;
	[sflag:s30] =	ssyncset.done @!p2 $0x0  }
0x99: {  	s24 =	simm.s32 $0x2;
	s23 =	sadd.s32 $0x20000, s16;
	[sflag:s30] =	ssyncadd.s32 @!p2 $0xFFFFE000  }
0x9a: {  	s26 =	simm.s32 $0x4;
	s22 =	sadd.s32 $0x80, s17;
	_ =	swait.ge @!p2 [sflag:s30], $0x800  }
.LBB2_8:
0x9b: {  	p3 =	sge.u32 s28, s7  }
0x9c: {  	[sflag:s30] =	ssyncset.done @!p2 $0x0;
	s29 =	smov.u32 s26;
	s26 =	sadd.s32 $0x2, s26  }
0x9d: {  	s31 =	simm.s32 @!p3 $0x1;
	s0 =	sadd.s32 @!p3 s24, s6;
	[sflag:s30] =	ssyncadd.s32 @!p2 $0xFFFFF800  }
0x9e: {  	p1 =	sne.s32 s26, $0x28;
	_ =	swait.ge @!p3 [sflag:s31], $0x8000;
	s0 =	sadd.s32 @!p3 $0x1, s0  }
0x9f: {  	[sflag:s31] =	ssyncset.done @!p3 $0x0;
	p2 =	sge.u32 @!p3 s0, s7  }
0xa0: {  	[sflag:s31] =	ssyncadd.s32 @!p3 $0xFFFF8000  }
0xa1: {  	_ =	swait.ge @!p3 [sflag:s31], $0x200  }
0xa2: {  	s0 =	simm.s32 @!p3 $0x0;
	[sflag:s31] =	ssyncset.done @!p3 $0x0  }
0xa3: {  	s30 =	simm.s32 @!p3 $0x10000;
	[sflag:s31] =	ssyncadd.s32 @!p3 $0xFFFFFE00;
	s31 =	simm.s32 @!p3 $0x80  }
0xa4: {  	[spmem:s2] =	stream.indirect.scatter.add.f32 @!p3 [tilespmem:s0], [sflag:$0x3], $0x40, s30, s31, $0xb8;
	[tilespmem:$0x1FC00] =	vst v63  }
0xa5: {  	s0 =	simm.s32 @!p3 $0x10400  }
0xa6: {  	[spmem:s3] =	stream.indirect.scatter.add.f32 @!p3 [tilespmem:s0], [sflag:$0x3], $0x10, s30, s31, $0xb8;
	[tilespmem:$0x1FC00] =	vst v63  }
0xa7: {  	s4 =	simm.s32 @!p3 $0x2000;
	s30 =	simm.s32 @!p3 $0x10080  }
0xa8: {  	[spmem:s2] =	stream.indirect.scatter.add.f32 @!p3 [tilespmem:s4], [sflag:$0x3], $0x40, s30, s31, $0xb8;
	[tilespmem:$0x1FC00] =	vst v63  }
0xa9: {  	_ = 	snop  }
0xaa: {  	[spmem:s3] =	stream.indirect.scatter.add.f32 @!p3 [tilespmem:s0], [sflag:$0x3], $0x10, s30, s31, $0xb8;
	[tilespmem:$0x1FC00] =	vst v63  }
0xab: {  	s4 =	simm.s32 @!p3 $0x10100;
	s30 =	simm.s32 @!p3 $0x4000  }
0xac: {  	[spmem:s2] =	stream.indirect.scatter.add.f32 @!p3 [tilespmem:s30], [sflag:$0x3], $0x40, s4, s31, $0xb8;
	[tilespmem:$0x1FC00] =	vst v63  }
0xad: {  	_ = 	snop  }
0xae: {  	[spmem:s3] =	stream.indirect.scatter.add.f32 @!p3 [tilespmem:s0], [sflag:$0x3], $0x10, s4, s31, $0xb8;
	[tilespmem:$0x1FC00] =	vst v63  }
0xaf: {  	s30 =	simm.s32 @!p3 $0x6000;
	s4 =	simm.s32 @!p3 $0x10180  }
0xb0: {  	[spmem:s2] =	stream.indirect.scatter.add.f32 @!p3 [tilespmem:s30], [sflag:$0x3], $0x40, s4, s31, $0xb8;
	[tilespmem:$0x1FC00] =	vst v63  }
0xb1: {  	p2 =	por p2, p3;
	s30 =	simm.s32 @!p3 $0x3  }
0xb2: {  	[spmem:s3] =	stream.indirect.scatter.add.f32 @!p3 [tilespmem:s0], [sflag:$0x3], $0x10, s4, s31, $0xb8;
	[tilespmem:$0x1FC00] =	vst v63  }
0xb3: {  	s0 =	simm.s32 @!p2 $0x40;
	s4 =	simm.s32 @!p2 $0x80;
	s31 =	simm.s32 @!p2 $0x8000  }
0xb4: {  	[tilespmem:s31], [sflag:$0x2] =	stream.strided.gather @!p2 [hbm4b:s25+s0], $0x8000, s4, s0, $0x38;
	[tilespmem:$0x1FC00] =	vst v63  }
0xb5: {  	s0 =	sadd.s32 @!p2 $0xFFFFFFC0, s22;
	s4 =	simm.s32 @!p2 $0x0;
	s31 =	simm.s32 @!p2 $0x10200  }
0xb6: {  	[tilespmem:s31], [sflag:$0x2] =	stream.linear.gather @!p2 [hbm4b:s0+s4], $0x200, $0x38;
	[tilespmem:$0x1FC00] =	vst v63  }
0xb7: {  	_ =	swait.ge @!p3 [sflag:s30], $0x2000  }
0xb8: {  	[sflag:s30] =	ssyncset.done @!p3 $0x0  }
0xb9: {  	[sflag:s30] =	ssyncadd.s32 @!p3 $0xFFFFE000  }
0xba: {  	_ =	swait.ge @!p3 [sflag:s30], $0x800  }
0xbb: {  	[sflag:s30] =	ssyncset.done @!p3 $0x0  }
0xbc: {  	[sflag:s30] =	ssyncadd.s32 @!p3 $0xFFFFF800  }
0xbd: {  	_ =	swait.ge @!p3 [sflag:s30], $0x2000  }
0xbe: {  	[sflag:s30] =	ssyncset.done @!p3 $0x0  }
0xbf: {  	[sflag:s30] =	ssyncadd.s32 @!p3 $0xFFFFE000  }
0xc0: {  	_ =	swait.ge @!p3 [sflag:s30], $0x800  }
0xc1: {  	[sflag:s30] =	ssyncset.done @!p3 $0x0  }
0xc2: {  	[sflag:s30] =	ssyncadd.s32 @!p3 $0xFFFFF800  }
0xc3: {  	_ =	swait.ge @!p3 [sflag:s30], $0x2000  }
0xc4: {  	[sflag:s30] =	ssyncset.done @!p3 $0x0  }
0xc5: {  	[sflag:s30] =	ssyncadd.s32 @!p3 $0xFFFFE000  }
0xc6: {  	_ =	swait.ge @!p3 [sflag:s30], $0x800  }
0xc7: {  	[sflag:s30] =	ssyncset.done @!p3 $0x0  }
0xc8: {  	[sflag:s30] =	ssyncadd.s32 @!p3 $0xFFFFF800  }
0xc9: {  	_ =	swait.ge @!p3 [sflag:s30], $0x2000  }
0xca: {  	[sflag:s30] =	ssyncset.done @!p3 $0x0  }
0xcb: {  	[sflag:s30] =	ssyncadd.s32 @!p3 $0xFFFFE000  }
0xcc: {  	s0 =	sadd.s32 $0x1, s28;
	_ =	swait.ge @!p3 [sflag:s30], $0x800  }
0xcd: {  	p2 =	sge.u32 s0, s7;
	[sflag:s30] =	ssyncset.done @!p3 $0x0  }
0xce: {  	s0 =	simm.s32 @!p2 $0x2;
	s4 =	sadd.s32 @!p2 s24, s6;
	[sflag:s30] =	ssyncadd.s32 @!p3 $0xFFFFF800  }
0xcf: {  	s24 =	smov.u32 s29;
	s4 =	sadd.s32 @!p2 $0x2, s4;
	_ =	swait.ge @!p2 [sflag:s0], $0x8000  }
0xd0: {  	p3 =	sge.u32 @!p2 s4, s7;
	[sflag:s0] =	ssyncset.done @!p2 $0x0  }
0xd1: {  	[sflag:s0] =	ssyncadd.s32 @!p2 $0xFFFF8000  }
0xd2: {  	_ =	swait.ge @!p2 [sflag:s0], $0x200  }
0xd3: {  	s4 =	simm.s32 @!p2 $0x8000;
	[sflag:s0] =	ssyncset.done @!p2 $0x0  }
0xd4: {  	s28 =	simm.s32 @!p2 $0x10200;
	[sflag:s0] =	ssyncadd.s32 @!p2 $0xFFFFFE00;
	s0 =	simm.s32 @!p2 $0x80  }
0xd5: {  	[spmem:s2] =	stream.indirect.scatter.add.f32 @!p2 [tilespmem:s4], [sflag:$0x3], $0x40, s28, s0, $0xb8;
	[tilespmem:$0x1FC00] =	vst v63  }
0xd6: {  	s4 =	simm.s32 @!p2 $0x10400  }
0xd7: {  	[spmem:s3] =	stream.indirect.scatter.add.f32 @!p2 [tilespmem:s4], [sflag:$0x3], $0x10, s28, s0, $0xb8;
	[tilespmem:$0x1FC00] =	vst v63  }
0xd8: {  	s29 =	simm.s32 @!p2 $0xA000;
	s28 =	simm.s32 @!p2 $0x10280  }
0xd9: {  	[spmem:s2] =	stream.indirect.scatter.add.f32 @!p2 [tilespmem:s29], [sflag:$0x3], $0x40, s28, s0, $0xb8;
	[tilespmem:$0x1FC00] =	vst v63  }
0xda: {  	_ = 	snop  }
0xdb: {  	[spmem:s3] =	stream.indirect.scatter.add.f32 @!p2 [tilespmem:s4], [sflag:$0x3], $0x10, s28, s0, $0xb8;
	[tilespmem:$0x1FC00] =	vst v63  }
0xdc: {  	s29 =	simm.s32 @!p2 $0xC000;
	s28 =	simm.s32 @!p2 $0x10300  }
0xdd: {  	[spmem:s2] =	stream.indirect.scatter.add.f32 @!p2 [tilespmem:s29], [sflag:$0x3], $0x40, s28, s0, $0xb8;
	[tilespmem:$0x1FC00] =	vst v63  }
0xde: {  	_ = 	snop  }
0xdf: {  	[spmem:s3] =	stream.indirect.scatter.add.f32 @!p2 [tilespmem:s4], [sflag:$0x3], $0x10, s28, s0, $0xb8;
	[tilespmem:$0x1FC00] =	vst v63  }
0xe0: {  	s29 =	simm.s32 @!p2 $0xE000;
	s28 =	simm.s32 @!p2 $0x10380  }
0xe1: {  	[spmem:s2] =	stream.indirect.scatter.add.f32 @!p2 [tilespmem:s29], [sflag:$0x3], $0x40, s28, s0, $0xb8;
	[tilespmem:$0x1FC00] =	vst v63  }
0xe2: {  	p3 =	por p3, p2  }
0xe3: {  	s31 =	simm.s32 @!p3 $0x0;
	s11 =	simm.s32 @!p3 $0x10000;
	s29 =	sshrl.u32 @!p3 s23, $0x3  }
0xe4: {  	[spmem:s3] =	stream.indirect.scatter.add.f32 @!p2 [tilespmem:s4], [sflag:$0x3], $0x10, s28, s0, $0xb8;
	[tilespmem:$0x1FC00] =	vst v63  }
0xe5: {  	s0 =	sadd.s32 @!p3 s1, s29;
	s4 =	simm.s32 @!p3 $0x40;
	s28 =	simm.s32 @!p3 $0x80  }
0xe6: {  	[tilespmem:s31], [sflag:$0x1] =	stream.strided.gather @!p3 [hbm4b:s0+s4], $0x8000, s28, s4, $0x38;
	[tilespmem:$0x1FC00] =	vst v63  }
0xe7: {  	s30 =	simm.s32 @!p2 $0x3  }
0xe8: {  	[tilespmem:s11], [sflag:$0x1] =	stream.linear.gather @!p3 [hbm4b:s22+s31], $0x200, $0x38;
	[tilespmem:$0x1FC00] =	vst v63  }
0xe9: {  	_ =	swait.ge @!p2 [sflag:s30], $0x2000  }
0xea: {  	[sflag:s30] =	ssyncset.done @!p2 $0x0  }
0xeb: {  	[sflag:s30] =	ssyncadd.s32 @!p2 $0xFFFFE000  }
0xec: {  	_ =	swait.ge @!p2 [sflag:s30], $0x800  }
0xed: {  	[sflag:s30] =	ssyncset.done @!p2 $0x0  }
0xee: {  	[sflag:s30] =	ssyncadd.s32 @!p2 $0xFFFFF800  }
0xef: {  	_ =	swait.ge @!p2 [sflag:s30], $0x2000  }
0xf0: {  	[sflag:s30] =	ssyncset.done @!p2 $0x0  }
0xf1: {  	[sflag:s30] =	ssyncadd.s32 @!p2 $0xFFFFE000  }
0xf2: {  	_ =	swait.ge @!p2 [sflag:s30], $0x800  }
0xf3: {  	[sflag:s30] =	ssyncset.done @!p2 $0x0  }
0xf4: {  	[sflag:s30] =	ssyncadd.s32 @!p2 $0xFFFFF800  }
0xf5: {  	_ =	swait.ge @!p2 [sflag:s30], $0x2000  }
0xf6: {  	[sflag:s30] =	ssyncset.done @!p2 $0x0  }
0xf7: {  	[sflag:s30] =	ssyncadd.s32 @!p2 $0xFFFFE000  }
0xf8: {  	_ =	swait.ge @!p2 [sflag:s30], $0x800  }
0xf9: {  	[sflag:s30] =	ssyncset.done @!p2 $0x0  }
.Ltmp3:
0xfa: {  	[sflag:s30] =	ssyncadd.s32 @!p2 $0xFFFFF800;
	(pc) =	sbr.rel @p1 .LBB2_8-.Ltmp3, $4  }
0xfb: {  	_ =	swait.ge @!p2 [sflag:s30], $0x2000  }
0xfc: {  	[sflag:s30] =	ssyncset.done @!p2 $0x0  }
0xfd: {  	s25 =	sadd.s32 $0x4000, s25;
	s22 =	sadd.s32 $0x80, s22;
	[sflag:s30] =	ssyncadd.s32 @!p2 $0xFFFFE000  }
0xfe: {  	s23 =	sadd.s32 $0x20000, s23;
	s28 =	sadd.s32 s24, s6;
	_ =	swait.ge @!p2 [sflag:s30], $0x800  }
0xff: {  	p1 =	sge.u32 s28, s7;
	[sflag:s30] =	ssyncset.done @!p2 $0x0  }
0x100: {  	s0 =	simm.s32 @!p1 $0x1;
	[sflag:s30] =	ssyncadd.s32 @!p2 $0xFFFFF800  }
0x101: {  	_ =	swait.ge @!p1 [sflag:s0], $0x8000  }
0x102: {  	[sflag:s0] =	ssyncset.done @!p1 $0x0  }
0x103: {  	[sflag:s0] =	ssyncadd.s32 @!p1 $0xFFFF8000  }
0x104: {  	_ =	swait.ge @!p1 [sflag:s0], $0x200  }
0x105: {  	s4 =	simm.s32 @!p1 $0x0;
	[sflag:s0] =	ssyncset.done @!p1 $0x0  }
0x106: {  	s11 =	simm.s32 @!p1 $0x10000;
	[sflag:s0] =	ssyncadd.s32 @!p1 $0xFFFFFE00;
	s0 =	simm.s32 @!p1 $0x80  }
0x107: {  	[spmem:s2] =	stream.indirect.scatter.add.f32 @!p1 [tilespmem:s4], [sflag:$0x3], $0x40, s11, s0, $0xb8;
	[tilespmem:$0x1FC00] =	vst v63  }
0x108: {  	s4 =	simm.s32 @!p1 $0x10400  }
0x109: {  	[spmem:s3] =	stream.indirect.scatter.add.f32 @!p1 [tilespmem:s4], [sflag:$0x3], $0x10, s11, s0, $0xb8;
	[tilespmem:$0x1FC00] =	vst v63  }
0x10a: {  	s26 =	simm.s32 @!p1 $0x2000;
	s11 =	simm.s32 @!p1 $0x10080  }
0x10b: {  	[spmem:s2] =	stream.indirect.scatter.add.f32 @!p1 [tilespmem:s26], [sflag:$0x3], $0x40, s11, s0, $0xb8;
	[tilespmem:$0x1FC00] =	vst v63  }
0x10c: {  	_ = 	snop  }
0x10d: {  	[spmem:s3] =	stream.indirect.scatter.add.f32 @!p1 [tilespmem:s4], [sflag:$0x3], $0x10, s11, s0, $0xb8;
	[tilespmem:$0x1FC00] =	vst v63  }
0x10e: {  	s26 =	simm.s32 @!p1 $0x4000;
	s11 =	simm.s32 @!p1 $0x10100  }
0x10f: {  	[spmem:s2] =	stream.indirect.scatter.add.f32 @!p1 [tilespmem:s26], [sflag:$0x3], $0x40, s11, s0, $0xb8;
	[tilespmem:$0x1FC00] =	vst v63  }
0x110: {  	s26 =	sadd.s32 @!p1 s24, s6  }
0x111: {  	s26 =	sadd.s32 @!p1 $0x1, s26  }
0x112: {  	[spmem:s3] =	stream.indirect.scatter.add.f32 @!p1 [tilespmem:s4], [sflag:$0x3], $0x10, s11, s0, $0xb8;
	[tilespmem:$0x1FC00] =	vst v63  }
0x113: {  	p2 =	sge.u32 @!p1 s26, s7;
	s11 =	simm.s32 @!p1 $0x10180;
	s26 =	simm.s32 @!p1 $0x6000  }
0x114: {  	[spmem:s2] =	stream.indirect.scatter.add.f32 @!p1 [tilespmem:s26], [sflag:$0x3], $0x40, s11, s0, $0xb8;
	[tilespmem:$0x1FC00] =	vst v63  }
0x115: {  	p2 =	por p2, p1;
	s26 =	simm.s32 @!p1 $0x3  }
0x116: {  	[spmem:s3] =	stream.indirect.scatter.add.f32 @!p1 [tilespmem:s4], [sflag:$0x3], $0x10, s11, s0, $0xb8;
	[tilespmem:$0x1FC00] =	vst v63  }
0x117: {  	s0 =	simm.s32 @!p2 $0x40;
	s4 =	simm.s32 @!p2 $0x80;
	s11 =	simm.s32 @!p2 $0x8000  }
0x118: {  	[tilespmem:s11], [sflag:$0x2] =	stream.strided.gather @!p2 [hbm4b:s25+s0], $0x8000, s4, s0, $0x38;
	[tilespmem:$0x1FC00] =	vst v63  }
0x119: {  	s0 =	sadd.s32 @!p2 $0xFFFFFFC0, s22;
	s4 =	simm.s32 @!p2 $0x0;
	s11 =	simm.s32 @!p2 $0x10200  }
0x11a: {  	[tilespmem:s11], [sflag:$0x2] =	stream.linear.gather @!p2 [hbm4b:s0+s4], $0x200, $0x38;
	[tilespmem:$0x1FC00] =	vst v63  }
0x11b: {  	_ =	swait.ge @!p1 [sflag:s26], $0x2000  }
0x11c: {  	[sflag:s26] =	ssyncset.done @!p1 $0x0  }
0x11d: {  	[sflag:s26] =	ssyncadd.s32 @!p1 $0xFFFFE000  }
0x11e: {  	_ =	swait.ge @!p1 [sflag:s26], $0x800  }
0x11f: {  	[sflag:s26] =	ssyncset.done @!p1 $0x0  }
0x120: {  	[sflag:s26] =	ssyncadd.s32 @!p1 $0xFFFFF800  }
0x121: {  	_ =	swait.ge @!p1 [sflag:s26], $0x2000  }
0x122: {  	[sflag:s26] =	ssyncset.done @!p1 $0x0  }
0x123: {  	[sflag:s26] =	ssyncadd.s32 @!p1 $0xFFFFE000  }
0x124: {  	_ =	swait.ge @!p1 [sflag:s26], $0x800  }
0x125: {  	[sflag:s26] =	ssyncset.done @!p1 $0x0  }
0x126: {  	[sflag:s26] =	ssyncadd.s32 @!p1 $0xFFFFF800  }
0x127: {  	_ =	swait.ge @!p1 [sflag:s26], $0x2000  }
0x128: {  	[sflag:s26] =	ssyncset.done @!p1 $0x0  }
0x129: {  	[sflag:s26] =	ssyncadd.s32 @!p1 $0xFFFFE000  }
0x12a: {  	_ =	swait.ge @!p1 [sflag:s26], $0x800  }
0x12b: {  	[sflag:s26] =	ssyncset.done @!p1 $0x0  }
0x12c: {  	[sflag:s26] =	ssyncadd.s32 @!p1 $0xFFFFF800  }
0x12d: {  	_ =	swait.ge @!p1 [sflag:s26], $0x2000  }
0x12e: {  	[sflag:s26] =	ssyncset.done @!p1 $0x0  }
0x12f: {  	[sflag:s26] =	ssyncadd.s32 @!p1 $0xFFFFE000  }
0x130: {  	s29 =	sadd.s32 $0x1, s28;
	_ =	swait.ge @!p1 [sflag:s26], $0x800  }
0x131: {  	p2 =	sge.u32 s29, s7;
	[sflag:s26] =	ssyncset.done @!p1 $0x0  }
0x132: {  	s0 =	simm.s32 @!p2 $0x2;
	[sflag:s26] =	ssyncadd.s32 @!p1 $0xFFFFF800  }
0x133: {  	_ =	swait.ge @!p2 [sflag:s0], $0x8000  }
0x134: {  	[sflag:s0] =	ssyncset.done @!p2 $0x0  }
0x135: {  	[sflag:s0] =	ssyncadd.s32 @!p2 $0xFFFF8000  }
0x136: {  	_ =	swait.ge @!p2 [sflag:s0], $0x200  }
0x137: {  	s4 =	simm.s32 @!p2 $0x8000;
	[sflag:s0] =	ssyncset.done @!p2 $0x0  }
0x138: {  	s11 =	simm.s32 @!p2 $0x10200;
	[sflag:s0] =	ssyncadd.s32 @!p2 $0xFFFFFE00;
	s0 =	simm.s32 @!p2 $0x80  }
0x139: {  	[spmem:s2] =	stream.indirect.scatter.add.f32 @!p2 [tilespmem:s4], [sflag:$0x3], $0x40, s11, s0, $0xb8;
	[tilespmem:$0x1FC00] =	vst v63  }
0x13a: {  	s4 =	simm.s32 @!p2 $0x10400  }
0x13b: {  	[spmem:s3] =	stream.indirect.scatter.add.f32 @!p2 [tilespmem:s4], [sflag:$0x3], $0x10, s11, s0, $0xb8;
	[tilespmem:$0x1FC00] =	vst v63  }
0x13c: {  	s25 =	simm.s32 @!p2 $0xA000;
	s11 =	simm.s32 @!p2 $0x10280  }
0x13d: {  	[spmem:s2] =	stream.indirect.scatter.add.f32 @!p2 [tilespmem:s25], [sflag:$0x3], $0x40, s11, s0, $0xb8;
	[tilespmem:$0x1FC00] =	vst v63  }
0x13e: {  	_ = 	snop  }
0x13f: {  	[spmem:s3] =	stream.indirect.scatter.add.f32 @!p2 [tilespmem:s4], [sflag:$0x3], $0x10, s11, s0, $0xb8;
	[tilespmem:$0x1FC00] =	vst v63  }
0x140: {  	s11 =	sadd.s32 @!p2 s24, s6  }
0x141: {  	s25 =	simm.s32 @!p2 $0xC000;
	s24 =	simm.s32 @!p2 $0x10300;
	s11 =	sadd.s32 @!p2 $0x2, s11  }
0x142: {  	[spmem:s2] =	stream.indirect.scatter.add.f32 @!p2 [tilespmem:s25], [sflag:$0x3], $0x40, s24, s0, $0xb8;
	[tilespmem:$0x1FC00] =	vst v63  }
0x143: {  	p1 =	sge.u32 @!p2 s11, s7  }
0x144: {  	[spmem:s3] =	stream.indirect.scatter.add.f32 @!p2 [tilespmem:s4], [sflag:$0x3], $0x10, s24, s0, $0xb8;
	[tilespmem:$0x1FC00] =	vst v63  }
0x145: {  	s11 =	simm.s32 @!p2 $0x10380;
	p1 =	por p1, p2;
	s24 =	simm.s32 @!p2 $0xE000  }
0x146: {  	[spmem:s2] =	stream.indirect.scatter.add.f32 @!p2 [tilespmem:s24], [sflag:$0x3], $0x40, s11, s0, $0xb8;
	[tilespmem:$0x1FC00] =	vst v63  }
0x147: {  	s23 =	sshrl.u32 @!p1 s23, $0x3;
	s24 =	simm.s32 @!p1 $0x0  }
0x148: {  	[spmem:s3] =	stream.indirect.scatter.add.f32 @!p2 [tilespmem:s4], [sflag:$0x3], $0x10, s11, s0, $0xb8;
	[tilespmem:$0x1FC00] =	vst v63  }
0x149: {  	s0 =	sadd.s32 @!p1 s1, s23;
	s4 =	simm.s32 @!p1 $0x40;
	s11 =	simm.s32 @!p1 $0x80  }
0x14a: {  	[tilespmem:s24], [sflag:$0x1] =	stream.strided.gather @!p1 [hbm4b:s0+s4], $0x8000, s11, s4, $0x38;
	[tilespmem:$0x1FC00] =	vst v63  }
0x14b: {  	s0 =	simm.s32 @!p1 $0x10000;
	s4 =	simm.s32 @!p2 $0x3  }
0x14c: {  	[tilespmem:s0], [sflag:$0x1] =	stream.linear.gather @!p1 [hbm4b:s22+s24], $0x200, $0x38;
	[tilespmem:$0x1FC00] =	vst v63  }
0x14d: {  	_ =	swait.ge @!p2 [sflag:s4], $0x2000  }
0x14e: {  	[sflag:s4] =	ssyncset.done @!p2 $0x0  }
0x14f: {  	[sflag:s4] =	ssyncadd.s32 @!p2 $0xFFFFE000  }
0x150: {  	_ =	swait.ge @!p2 [sflag:s4], $0x800  }
0x151: {  	[sflag:s4] =	ssyncset.done @!p2 $0x0  }
0x152: {  	[sflag:s4] =	ssyncadd.s32 @!p2 $0xFFFFF800  }
0x153: {  	_ =	swait.ge @!p2 [sflag:s4], $0x2000  }
0x154: {  	[sflag:s4] =	ssyncset.done @!p2 $0x0  }
0x155: {  	[sflag:s4] =	ssyncadd.s32 @!p2 $0xFFFFE000  }
0x156: {  	_ =	swait.ge @!p2 [sflag:s4], $0x800  }
0x157: {  	[sflag:s4] =	ssyncset.done @!p2 $0x0  }
0x158: {  	[sflag:s4] =	ssyncadd.s32 @!p2 $0xFFFFF800  }
0x159: {  	_ =	swait.ge @!p2 [sflag:s4], $0x2000  }
0x15a: {  	[sflag:s4] =	ssyncset.done @!p2 $0x0  }
0x15b: {  	[sflag:s4] =	ssyncadd.s32 @!p2 $0xFFFFE000  }
0x15c: {  	_ =	swait.ge @!p2 [sflag:s4], $0x800  }
0x15d: {  	[sflag:s4] =	ssyncset.done @!p2 $0x0  }
0x15e: {  	[sflag:s4] =	ssyncadd.s32 @!p2 $0xFFFFF800  }
0x15f: {  	_ =	swait.ge @!p2 [sflag:s4], $0x2000  }
0x160: {  	[sflag:s4] =	ssyncset.done @!p2 $0x0  }
0x161: {  	[sflag:s4] =	ssyncadd.s32 @!p2 $0xFFFFE000  }
0x162: {  	_ =	swait.ge @!p2 [sflag:s4], $0x800  }
0x163: {  	[sflag:s4] =	ssyncset.done @!p2 $0x0  }
0x164: {  	[sflag:s4] =	ssyncadd.s32 @!p2 $0xFFFFF800  }
0x165: {  	[bflag:$0x0] =	sbarrier.arrive $0xFFFF  }
0x166: {  	[tilespmem:s20], [sflag:$0x4] =	stream.linear.gather [spmem:s10], $0x2800, $0x38;
	[tilespmem:$0x1FC00] =	vst v63  }
0x167: {  	_ =	swait.ge [sflag:s19], $0x2800  }
0x168: {  	[sflag:s19] =	ssyncset.done $0x0  }
0x169: {  	s30 =	simm.s32 $0x0;
	[sflag:s19] =	ssyncadd.s32 $0xFFFFD800  }
0x16a: {  	[tilespmem:s30], [sflag:$0x4] =	stream.linear.gather [spmem:s8], $0x8000, $0x38;
	[tilespmem:$0x1FC00] =	vst v63  }
0x16b: {  	_ =	swait.ge [sflag:s19], $0x8000  }
0x16c: {  	[sflag:s19] =	ssyncset.done $0x0  }
0x16d: {  	s31 =	simm.s32 $0x0;
	[sflag:s19] =	ssyncadd.s32 $0xFFFF8000  }
0x16e: {  	v2 =	vld [tilespmem:s31+$0x10C00];
	_ =	sdelay $0x4  }
0x16f: {  	v2 =	vmax.f32 v2, $1.000000000e+00  }
0x170: {  	(erf) = vrcp.f32 v2;
	_ =	sdelay $0x3  }
0x171: {  	s22 =	simm.s32 $0x20  }
0x172: {  	v2 =	vld [tilespmem:s22+$0xFFFFFFE0]  }
0x173: {  	v3 =	vld [tilespmem:s22+$0xFFFFFFF0]  }
0x174: {  	v4 =	vld [tilespmem:s22+$0x0]  }
0x175: {  	v5 =	vld [tilespmem:s22+$0x10]  }
0x176: {  	v6 =	vpop (erf)  }
0x177: {  	v2 =	vmul.f32 v6, v2  }
0x178: {  	v3 =	vmul.f32 v3, v6  }
0x179: {  	v4 =	vmul.f32 v4, v6;
	[tilespmem:s22+$0xFFFFFFE0] =	vst v2  }
0x17a: {  	v2 =	vmul.f32 v5, v6;
	[tilespmem:s22+$0xFFFFFFF0] =	vst v3  }
0x17b: {  	[tilespmem:s22+$0x0] =	vst v4  }
0x17c: {  	s23 =	simm.s32 $0x80;
	s24 =	simm.s32 $0x10;
	[tilespmem:s22+$0x10] =	vst v2  }
.LBB2_10:
0x17d: {  	p1 =	sne.s32 s23, $0x7FC0;
	v2 =	vld [tilespmem:s24+$0x10C00];
	_ =	sdelay $0x4  }
0x17e: {  	v2 =	vmax.f32 v2, $1.000000000e+00  }
0x17f: {  	(erf) = vrcp.f32 v2;
	_ =	sdelay $0x1  }
0x180: {  	s22 =	sadd.s32 $0x40, s22  }
0x181: {  	v2 =	vld [tilespmem:s22+$0xFFFFFFF0]  }
0x182: {  	v3 =	vld [tilespmem:s22+$0x10]  }
0x183: {  	v4 =	vld [tilespmem:s22+$0xFFFFFFE0]  }
0x184: {  	v5 =	vld [tilespmem:s22+$0x0];
	_ =	sdelay $0x2  }
0x185: {  	v6 =	vpop (erf)  }
0x186: {  	v4 =	vmul.f32 v6, v4;
	v2 =	vmul.f32 v2, v6  }
.Ltmp4:
0x187: {  	v3 =	vmul.f32 v3, v6;
	v5 =	vmul.f32 v5, v6;
	(pc) =	sbr.rel @p1 .LBB2_10-.Ltmp4, $4  }
0x188: {  	[tilespmem:s22+$0xFFFFFFE0] =	vst v4  }
0x189: {  	[tilespmem:s22+$0xFFFFFFF0] =	vst v2  }
0x18a: {  	[tilespmem:s22+$0x0] =	vst v5  }
0x18b: {  	s24 =	sshra.s32 s23, $0x2;
	s23 =	sadd.s32 $0x40, s23;
	[tilespmem:s22+$0x10] =	vst v3  }
0x18c: {  	v2 =	vld [tilespmem:s24+$0x10C00];
	_ =	sdelay $0x4  }
0x18d: {  	v2 =	vmax.f32 v2, $1.000000000e+00  }
0x18e: {  	(erf) = vrcp.f32 v2;
	_ =	sdelay $0x3  }
0x18f: {  	s0 =	sadd.s32 $0x40, s22  }
0x190: {  	v2 =	vld [tilespmem:s0+$0xFFFFFFE0]  }
0x191: {  	v3 =	vld [tilespmem:s0+$0xFFFFFFF0]  }
0x192: {  	v4 =	vld [tilespmem:s0+$0x0]  }
0x193: {  	v5 =	vld [tilespmem:s0+$0x10]  }
0x194: {  	v6 =	vpop (erf)  }
0x195: {  	v2 =	vmul.f32 v6, v2  }
0x196: {  	v3 =	vmul.f32 v3, v6  }
0x197: {  	v4 =	vmul.f32 v4, v6;
	[tilespmem:s0+$0xFFFFFFE0] =	vst v2  }
0x198: {  	v2 =	vmul.f32 v5, v6;
	[tilespmem:s0+$0xFFFFFFF0] =	vst v3  }
0x199: {  	[tilespmem:s0+$0x0] =	vst v4  }
0x19a: {  	s30 =	simm.s32 $0x0;
	[tilespmem:s0+$0x10] =	vst v2  }
0x19b: {  	[hbm4b:s13+s30] =	stream.linear.scatter [tilespmem:s30], [sflag:$0x4], $0x8000, $0x38;
	[tilespmem:$0x1FC00] =	vst v63  }
0x19c: {  	_ =	swait.ge [sflag:s19], $0x8000  }
0x19d: {  	[sflag:s19] =	ssyncset.done $0x0  }
0x19e: {  	[sflag:s19] =	ssyncadd.s32 $0xFFFF8000  }
0x19f: {  	[tilespmem:s30], [sflag:$0x4] =	stream.linear.gather [spmem:s9], $0x2000, $0x38;
	[tilespmem:$0x1FC00] =	vst v63  }
0x1a0: {  	_ =	swait.ge [sflag:s19], $0x2000  }
0x1a1: {  	[sflag:s19] =	ssyncset.done $0x0  }
0x1a2: {  	s31 =	simm.s32 $0x0;
	[sflag:s19] =	ssyncadd.s32 $0xFFFFE000  }
0x1a3: {  	v2 =	vld [tilespmem:s31+$0x12C00];
	_ =	sdelay $0x4  }
0x1a4: {  	v2 =	vmax.f32 v2, $1.000000000e+00  }
0x1a5: {  	(erf) = vrcp.f32 v2;
	_ =	sdelay $0x3  }
0x1a6: {  	s22 =	simm.s32 $0x20  }
0x1a7: {  	v2 =	vld [tilespmem:s22+$0xFFFFFFE0]  }
0x1a8: {  	v3 =	vld [tilespmem:s22+$0xFFFFFFF0]  }
0x1a9: {  	v61 =	vld [tilespmem:s22+$0x0]  }
0x1aa: {  	v62 =	vld [tilespmem:s22+$0x10]  }
0x1ab: {  	v63 =	vpop (erf)  }
0x1ac: {  	v2 =	vmul.f32 v63, v2  }
0x1ad: {  	v3 =	vmul.f32 v3, v63  }
0x1ae: {  	v4 =	vmul.f32 v61, v63;
	[tilespmem:s22+$0xFFFFFFE0] =	vst v2  }
0x1af: {  	v2 =	vmul.f32 v62, v63;
	[tilespmem:s22+$0xFFFFFFF0] =	vst v3  }
0x1b0: {  	[tilespmem:s22+$0x0] =	vst v4  }
0x1b1: {  	s24 =	simm.s32 $0x10;
	s23 =	simm.s32 $0x80;
	[tilespmem:s22+$0x10] =	vst v2  }
.LBB2_12:
0x1b2: {  	p1 =	sne.s32 s23, $0x1FC0;
	v2 =	vld [tilespmem:s24+$0x12C00];
	_ =	sdelay $0x4  }
0x1b3: {  	v2 =	vmax.f32 v2, $1.000000000e+00  }
0x1b4: {  	(erf) = vrcp.f32 v2;
	_ =	sdelay $0x1  }
0x1b5: {  	s22 =	sadd.s32 $0x40, s22  }
0x1b6: {  	v2 =	vld [tilespmem:s22+$0xFFFFFFF0]  }
0x1b7: {  	v3 =	vld [tilespmem:s22+$0x10]  }
0x1b8: {  	v4 =	vld [tilespmem:s22+$0xFFFFFFE0]  }
0x1b9: {  	v5 =	vld [tilespmem:s22+$0x0];
	_ =	sdelay $0x2  }
0x1ba: {  	v6 =	vpop (erf)  }
0x1bb: {  	v4 =	vmul.f32 v6, v4;
	v2 =	vmul.f32 v2, v6  }
.Ltmp5:
0x1bc: {  	v3 =	vmul.f32 v3, v6;
	v5 =	vmul.f32 v5, v6;
	(pc) =	sbr.rel @p1 .LBB2_12-.Ltmp5, $4  }
0x1bd: {  	[tilespmem:s22+$0xFFFFFFE0] =	vst v4  }
0x1be: {  	[tilespmem:s22+$0xFFFFFFF0] =	vst v2  }
0x1bf: {  	[tilespmem:s22+$0x0] =	vst v5  }
0x1c0: {  	s24 =	sshra.s32 s23, $0x2;
	s23 =	sadd.s32 $0x40, s23;
	[tilespmem:s22+$0x10] =	vst v3  }
0x1c1: {  	v2 =	vld [tilespmem:s24+$0x12C00];
	_ =	sdelay $0x4  }
0x1c2: {  	v2 =	vmax.f32 v2, $1.000000000e+00  }
0x1c3: {  	(erf) = vrcp.f32 v2;
	_ =	sdelay $0x3  }
0x1c4: {  	s0 =	sadd.s32 $0x40, s22  }
0x1c5: {  	v2 =	vld [tilespmem:s0+$0xFFFFFFE0]  }
0x1c6: {  	v3 =	vld [tilespmem:s0+$0xFFFFFFF0]  }
0x1c7: {  	v4 =	vld [tilespmem:s0+$0x0]  }
0x1c8: {  	v5 =	vld [tilespmem:s0+$0x10]  }
0x1c9: {  	v6 =	vpop (erf)  }
0x1ca: {  	v2 =	vmul.f32 v6, v2  }
0x1cb: {  	v3 =	vmul.f32 v3, v6  }
0x1cc: {  	v4 =	vmul.f32 v4, v6;
	[tilespmem:s0+$0xFFFFFFE0] =	vst v2  }
0x1cd: {  	s21 =	sadd.s32 $0x1, s21;
	v2 =	vmul.f32 v5, v6;
	[tilespmem:s0+$0xFFFFFFF0] =	vst v3  }
0x1ce: {  	p1 =	sne.s32 s21, s15;
	[tilespmem:s0+$0x0] =	vst v4  }
.Ltmp6:
0x1cf: {  	[tilespmem:s0+$0x10] =	vst v2;
	(pc) =	sbr.rel @p1 .LBB2_1-.Ltmp6, $4  }
0x1d0: {  	[hbm4b:s14+s5] =	stream.linear.scatter [tilespmem:s5], [sflag:$0x4], $0x2000, $0x38;
	[tilespmem:$0x1FC00] =	vst v63  }
0x1d1: {  	_ =	swait.ge [sflag:s19], $0x2000  }
0x1d2: {  	[sflag:s19] =	ssyncset.done $0x0  }
0x1d3: {  	[sflag:s19] =	ssyncadd.s32 $0xFFFFE000  }
0x1d4: {  	_ =	sfence.sel $0x180000  }
0x1d5: {  	[bflag:$0x0] =	sbarrier.arrive $0xFFFF  }
0x1d6: {  	_ =	strace $0x90000047  }
0x1d7: {  	s0 =	stileid.u32;
	[bflag:$0x2] =	sbarrier.arrive $0xFFFF  }
0x1d8: {  	p0 =	sne.s32 s0, $0x0;
	s0 =	rddreg [dreg:$0x5]  }
0x1d9: {  	s0 =	sadd.s32 @!p0 $0x100000, s0  }
0x1da: {  	[sflag:s0] =	ssyncadd.tile.s32 @!p0 $0x1;
	_ =	shalt  }
.Lfunc_end2:
_tile_overlayer_lowered:
.L_overlay_start_2:
0x1db: {  	(tag) =	ssettag $0x2  }
0x1dc: {  	s0 =	rddreg [dreg:$0x0];
	s2 =	stileid.u32  }
0x1dd: {  	s1 =	rddreg [dreg:$0x1];
	p0 =	sne.s32 s2, $0x0  }
0x1de: {  	s3 =	rddreg [dreg:$0x2];
	[bflag:$0x3] =	sbarrier.arrive $0xFFFF;
	s2 =	simm.s32 @!p0 $0x1C04  }
0x1df: {  	[timem:s3], [sflag:s2] =	dma.local @!p0 [hbm:s0], s1  }
0x1e0: {  	s0 =	simm.s32 @!p0 $0x4  }
0x1e1: {  	_ =	swait.ge @!p0 [sflag:s0], s1  }
0x1e2: {  	s1 =	ssub.s32 @!p0 $0x0, s1;
	[sflag:s0] =	ssyncset.done @!p0 $0x0  }
0x1e3: {  	[sflag:s0] =	ssyncadd.s32 @!p0 s1  }
0x1e4: {  	[bflag:$0x3] =	sbarrier.arrive $0xFFFF  }
0x1e5: {  	_ =	shalt  }

</sc_bundles>
